<compile_context>
chip_gen: v7x
topology: tpu7x:2x2x1
jax: 0.10.2.dev20260603
libtpu: 0.0.44.dev20260713+nightly
codegen_flags: <defaults>
</compile_context>

<pallas_src>
import functools

import jax
import jax.numpy as jnp
from jax import lax
from jax.experimental import pallas as pl
from jax.experimental.pallas import tpu as pltpu
from jax.experimental.pallas import tpu_sc as plsc

NC = 2
NS = 16
LANES = 16
N_HEAD = 10


def _geometry(n_nodes: int):
    per = -(-n_nodes // NS)
    stripe = -(-per // LANES) * LANES
    return stripe, NS * stripe


@functools.lru_cache(maxsize=None)
def _make_spmv3(n_nodes: int, n_edges: int):
    stripe, npad = _geometry(n_nodes)
    assert n_edges % (NS * LANES) == 0
    epw = n_edges // NS
    groups = epw // LANES

    mesh = plsc.VectorSubcoreMesh(core_axis_name="c", subcore_axis_name="s",
                                  num_cores=NC, num_subcores=NS)

    @functools.partial(
        pl.kernel,
        out_type=(jax.ShapeDtypeStruct((2 * npad,), jnp.float32),
                  jax.ShapeDtypeStruct((NS * npad,), jnp.float32)),
        mesh=mesh,
        compiler_params=pltpu.CompilerParams(needs_layout_passes=False),
        scratch_types=[
            pltpu.VMEM((epw,), jnp.int32),
            pltpu.VMEM((npad,), jnp.float32),
            pltpu.VMEM((npad,), jnp.float32),
            pltpu.VMEM((NS * stripe,), jnp.float32),
            pltpu.VMEM((stripe,), jnp.float32),
            pltpu.VMEM_SHARED((NS * npad,), jnp.float32),
            pltpu.VMEM_SHARED((npad,), jnp.float32),
            pltpu.SemaphoreType.DMA,
            pltpu.SemaphoreType.DMA,
        ],
    )
    def spmv3(edges_hbm, out_hbm, out3_hbm,
              pckb, vin_v, acc_v, sbig, sacc, slots, result, sem, sem2):
        c = lax.axis_index("c")
        s = lax.axis_index("s")
        base = s * epw
        zeros16 = jnp.zeros((LANES,), jnp.float32)
        soff = s * stripe

        cp_edges = pltpu.make_async_copy(
            edges_hbm.at[pl.ds(base, epw)], pckb, sem)
        cp_edges.start()

        @plsc.parallel_loop(0, npad // LANES, unroll=8)
        def _(j):
            acc_v[pl.ds(j * LANES, LANES)] = zeros16

        cp_edges.wait()

        mask14 = jnp.full((LANES,), 0x3FFF, jnp.int32)
        w_head = jnp.full((LANES,), 1.0 / N_HEAD, jnp.float32)
        zero_w = jnp.zeros((LANES,), jnp.float32)

        for r in range(3):
            if r == 0:
                @plsc.parallel_loop(0, groups, unroll=4)
                def _(g):
                    pv = pckb[pl.ds(g * LANES, LANES)]
                    d = lax.bitwise_and(pv, mask14)
                    sv = lax.shift_right_logical(pv, 14)
                    w = jnp.where(d < N_HEAD, w_head, zero_w)
                    plsc.addupdate_scatter(acc_v, [sv], w)
            else:
                @plsc.parallel_loop(0, groups, unroll=4)
                def _(g):
                    pv = pckb[pl.ds(g * LANES, LANES)]
                    d = lax.bitwise_and(pv, mask14)
                    sv = lax.shift_right_logical(pv, 14)
                    w = plsc.load_gather(vin_v, [d])
                    plsc.addupdate_scatter(acc_v, [sv], w)

            if r == 2:
                @pl.when(c == 0)
                def _():
                    pltpu.sync_copy(acc_v, out3_hbm.at[pl.ds(s * npad, npad)])
                break

            pltpu.sync_copy(acc_v, slots.at[pl.ds(s * npad, npad)])
            plsc.subcore_barrier()
            copies = []
            for k in range(NS):
                cp = pltpu.make_async_copy(
                    slots.at[pl.ds(k * npad + soff, stripe)],
                    sbig.at[pl.ds(k * stripe, stripe)], sem)
                cp.start()
                copies.append(cp)
            for cp in copies:
                cp.wait()

            @plsc.parallel_loop(0, stripe // LANES, unroll=2)
            def _(j):
                tot = sbig[pl.ds(j * LANES, LANES)]
                for k in range(1, NS):
                    tot = tot + sbig[pl.ds(k * stripe + j * LANES, LANES)]
                sacc[pl.ds(j * LANES, LANES)] = tot

            @pl.when(c == 0)
            def _():
                pltpu.sync_copy(sacc, out_hbm.at[pl.ds(r * npad + soff, stripe)])

            if r < 2:
                pltpu.sync_copy(sacc, result.at[pl.ds(soff, stripe)])
                plsc.subcore_barrier()
                cp_vin = pltpu.make_async_copy(result, vin_v, sem2)
                cp_vin.start()

                @plsc.parallel_loop(0, npad // LANES, unroll=8)
                def _(j):
                    acc_v[pl.ds(j * LANES, LANES)] = zeros16

                cp_vin.wait()

    return spmv3, npad, stripe


@functools.lru_cache(maxsize=None)
def _make_pack(n_edges: int):
    def body(e_ref, o_ref):
        o_ref[...] = (e_ref[0, :] << 14) | e_ref[1, :]

    return pl.pallas_call(
        body,
        out_shape=jax.ShapeDtypeStruct((n_edges,), jnp.int32),
    )


@functools.lru_cache(maxsize=None)
def _make_combine(n_nodes: int, d_in: int, d_out: int, npad: int):

    def body(x_ref, p_ref, p3_ref, w1r, w1o, b1r, w2r, w2o, b2r, w3r, w3o, b3r,
             o_ref):
        iot = lax.broadcasted_iota(jnp.int32, (1, n_nodes), 1)
        v0 = jnp.where(iot < N_HEAD, jnp.float32(1.0 / N_HEAD), jnp.float32(0.0))
        p = p_ref[...]
        v1 = p[0 * npad:1 * npad].reshape(1, npad)
        v2 = p[1 * npad:2 * npad].reshape(1, npad)
        p3 = p3_ref[...]
        v3f = p3[0:npad]
        for k in range(1, NS):
            v3f = v3f + p3[k * npad:(k + 1) * npad]
        v3 = v3f.reshape(1, npad)
        V = jnp.concatenate(
            [v0, v1[:, :n_nodes], v2[:, :n_nodes], v3[:, :n_nodes]], axis=0)
        csum = jnp.sum(V, axis=1, keepdims=True)
        S = lax.dot_general(V, x_ref[...], (((1,), (0,)), ((), ())),
                            preferred_element_type=jnp.float32)
        s0, s1, s2, s3 = S[0:1], S[1:2], S[2:3], S[3:4]
        c1, c2 = csum[1:2, 0:1], csum[2:3, 0:1]
        b1, b2, b3 = b1r[...], b2r[...], b3r[...]

        def mm(a, wref):
            return lax.dot_general(a, wref[...], (((1,), (0,)), ((), ())),
                                   preferred_element_type=jnp.float32)

        r2 = mm(s3, w1r) + c2 * b1 + mm(s2, w1o)
        r1 = mm(s2, w1r) + c1 * b1 + mm(s1, w1o)
        r0 = mm(s1, w1r) + b1 + mm(s0, w1o)
        t1 = mm(r2, w2r) + c1 * b2 + mm(r1, w2o)
        t0 = mm(r1, w2r) + b2 + mm(r0, w2o)
        o_ref[...] = mm(t1, w3r) + b3 + mm(t0, w3o)

    return pl.pallas_call(
        body,
        out_shape=jax.ShapeDtypeStruct((1, d_out), jnp.float32),
    )


def kernel(x, edge_index, W1_rel, W1_root, b1, W2_rel, W2_root, b2,
           W3_rel, W3_root, b3):
    n, d_in = x.shape
    d_out = W1_rel.shape[1]
    n_edges = edge_index.shape[1]
    edges = _make_pack(n_edges)(edge_index.astype(jnp.int32))

    stripe, npad = _geometry(n)
    spmv3, _, _ = _make_spmv3(n, n_edges)
    P12, P3 = spmv3(edges)

    combine = _make_combine(n, d_in, d_out, npad)
    return combine(x, P12, P3,
                   W1_rel, W1_root, b1.reshape(1, d_out),
                   W2_rel, W2_root, b2.reshape(1, d_out),
                   W3_rel, W3_root, b3.reshape(1, d_out))

# --- scband reference (transcript-rebuilt; emitter-appended) ---
"""Pipeline reference for scband-graph-conv-wrapper-75900662055243 (READ-ONLY COPY).

The authoritative reference and input builder live on the scoring server;
editing this copy changes nothing except your own understanding.
"""

import jax, jax.numpy as jnp
import numpy as np

N_NODES = 10000
N_EDGES = 320000
D_IN = 128
D_OUT = 128


def setup_inputs(seed: int = 0) -> dict:
    key = jax.random.key(seed)
    ks = jax.random.split(key, 12)
    x = jax.random.normal(ks[0], (N_NODES, D_IN), dtype=jnp.float32)
    edge_index = jax.random.randint(ks[1], (2, N_EDGES), 0, N_NODES, dtype=jnp.int64)
    s = 1.0 / np.sqrt(D_IN)
    so = 1.0 / np.sqrt(D_OUT)
    inp = {
        'x': x,
        'edge_index': edge_index,
        'W1_rel': jax.random.uniform(ks[2], (D_IN, D_OUT), jnp.float32, -s, s),
        'W1_root': jax.random.uniform(ks[3], (D_IN, D_OUT), jnp.float32, -s, s),
        'b1': jax.random.uniform(ks[4], (D_OUT,), jnp.float32, -s, s),
        'W2_rel': jax.random.uniform(ks[5], (D_OUT, D_OUT), jnp.float32, -so, so),
        'W2_root': jax.random.uniform(ks[6], (D_OUT, D_OUT), jnp.float32, -so, so),
        'b2': jax.random.uniform(ks[7], (D_OUT,), jnp.float32, -so, so),
        'W3_rel': jax.random.uniform(ks[8], (D_OUT, D_OUT), jnp.float32, -so, so),
        'W3_root': jax.random.uniform(ks[9], (D_OUT, D_OUT), jnp.float32, -so, so),
        'b3': jax.random.uniform(ks[10], (D_OUT,), jnp.float32, -so, so),
    }
    return inp


def _graph_conv(x, edge_index, W_rel, W_root, b):
    # PyG GraphConv with aggr='add':
    # out_i = lin_rel(sum_{j in N(i)} x_j) + lin_root(x_i)
    src = edge_index[0]
    dst = edge_index[1]
    msg = jnp.take(x, src, axis=0)
    aggr = jax.ops.segment_sum(msg, dst, num_segments=x.shape[0])
    return aggr @ W_rel + b + x @ W_root


def reference(x, edge_index, W1_rel, W1_root, b1, W2_rel, W2_root, b2, W3_rel, W3_root, b3):
    out = _graph_conv(x, edge_index, W1_rel, W1_root, b1)
    out = _graph_conv(out, edge_index, W2_rel, W2_root, b2)
    out = _graph_conv(out, edge_index, W3_rel, W3_root, b3)
    out = jnp.mean(out[:10], axis=0, keepdims=True)
    return out

if __name__ == "__main__":
    import jax
    _d = setup_inputs()
    print(jax.jit(kernel)(*tuple(_d.values())))

</pallas_src>

<mosaic_0001>
#map = affine_map<(d0, d1) -> (0)>
module attributes {stable_mosaic.version = 14 : i64} {
  func.func @spmv3(%arg0: i32, %arg1: i32, %arg2: memref<320000xi32, #tpu.memory_space<hbm>>, %arg3: memref<20480xf32, #tpu.memory_space<hbm>>, %arg4: memref<163840xf32, #tpu.memory_space<hbm>>, %arg5: memref<20000xi32, #tpu.memory_space<vmem>>, %arg6: memref<10240xf32, #tpu.memory_space<vmem>>, %arg7: memref<10240xf32, #tpu.memory_space<vmem>>, %arg8: memref<10240xf32, #tpu.memory_space<vmem>>, %arg9: memref<640xf32, #tpu.memory_space<vmem>>, %arg10: memref<163840xf32, #tpu.memory_space<vmem_shared>>, %arg11: memref<10240xf32, #tpu.memory_space<vmem_shared>>, %arg12: memref<!tpu.dma_semaphore, #tpu.memory_space<semaphore_mem>>, %arg13: memref<!tpu.dma_semaphore, #tpu.memory_space<semaphore_mem>>) attributes {dimension_semantics = [#tpu.dimension_semantics<core_parallel>, #tpu.dimension_semantics<subcore_parallel>], iteration_bounds = array<i64: 2, 16>, scalar_prefetch = 0 : i64, scratch_operands = 9 : i64, tpu.core_type = #tpu.core_type<sc_vector_subcore>, window_params = [{transform_indices = #map}, {transform_indices = #map}, {transform_indices = #map}]} {
    %mul3A = arith.constant 20000 : i32
    %mul3A_0 = arith.muli %arg1, %mul3A : i32
    %broadcast_in_dim3A = arith.constant 0.000000e+00 : f32
    %broadcast_in_dim3A_1 = vector.broadcast %broadcast_in_dim3A : f32 to vector<16xf32>
    %mul3A_2 = arith.constant 640 : i32
    %mul3A_3 = arith.muli %arg1, %mul3A_2 : i32
    %dma_start3A = tpu.memref_slice %arg2[%mul3A_0] : memref<320000xi32, #tpu.memory_space<hbm>> -> memref<20000xi32, #tpu.memory_space<hbm>>
    %dma_start3A_4 = tpu.memref_slice %arg2[%mul3A_0] : memref<320000xi32, #tpu.memory_space<hbm>> -> memref<20000xi32, #tpu.memory_space<hbm>>
    tpu.enqueue_dma source(%dma_start3A_4 : memref<20000xi32, #tpu.memory_space<hbm>>) target(%arg5 : memref<20000xi32, #tpu.memory_space<vmem>>) target_semaphore(%arg12 : memref<!tpu.dma_semaphore, #tpu.memory_space<semaphore_mem>>)
    %parallel_loop3A = arith.constant 0 : i32
    %parallel_loop3A_5 = arith.constant 640 : i32
    %parallel_loop3A_6 = arith.constant 1 : i32
    scf.for %parallel_loop3A_501 = %parallel_loop3A to %parallel_loop3A_5 step %parallel_loop3A_6  : i32 {
      %parallel_loop3A_502 = arith.constant 16 : i32
      %parallel_loop3A_503 = arith.muli %parallel_loop3A_501, %parallel_loop3A_502 : i32
      %parallel_loop3A_504 = arith.index_cast %parallel_loop3A_503 : i32 to index
      %parallel_loop3A_505 = tpu.vector_load %arg7[%parallel_loop3A_504] {strides = array<i32>} : memref<10240xf32, #tpu.memory_space<vmem>>, vector<16xf32>,
      tpu.vector_store %arg7[%parallel_loop3A_504], %broadcast_in_dim3A_1 {strides = array<i32>} : memref<10240xf32, #tpu.memory_space<vmem>>, vector<16xf32>,
    } {sc.loop_unroll_factor = 8 : i64, sc.parallel_access}
    %dma_wait3A = tpu.memref_slice %arg2[%mul3A_0] : memref<320000xi32, #tpu.memory_space<hbm>> -> memref<20000xi32, #tpu.memory_space<hbm>>
    %dma_wait3A_7 = tpu.memref_slice %arg2[%mul3A_0] : memref<320000xi32, #tpu.memory_space<hbm>> -> memref<20000xi32, #tpu.memory_space<hbm>>
    tpu.wait_dma2 semaphore(%arg12 : memref<!tpu.dma_semaphore, #tpu.memory_space<semaphore_mem>>) src(%dma_wait3A_7 : memref<20000xi32, #tpu.memory_space<hbm>>) dst(%arg5 : memref<20000xi32, #tpu.memory_space<vmem>>)
    %broadcast_in_dim3A_8 = arith.constant 16383 : i32
    %broadcast_in_dim3A_9 = vector.broadcast %broadcast_in_dim3A_8 : i32 to vector<16xi32>
    %broadcast_in_dim3A_10 = arith.constant 1.000000e-01 : f32
    %broadcast_in_dim3A_11 = vector.broadcast %broadcast_in_dim3A_10 : f32 to vector<16xf32>
    %broadcast_in_dim3A_12 = arith.constant 0.000000e+00 : f32
    %broadcast_in_dim3A_13 = vector.broadcast %broadcast_in_dim3A_12 : f32 to vector<16xf32>
    %parallel_loop3A_14 = arith.constant 0 : i32
    %parallel_loop3A_15 = arith.constant 1250 : i32
    %parallel_loop3A_16 = arith.constant 1 : i32
    scf.for %parallel_loop3A_501 = %parallel_loop3A_14 to %parallel_loop3A_15 step %parallel_loop3A_16  : i32 {
      %parallel_loop3A_502 = arith.constant 16 : i32
      %parallel_loop3A_503 = arith.muli %parallel_loop3A_501, %parallel_loop3A_502 : i32
      %parallel_loop3A_504 = arith.index_cast %parallel_loop3A_503 : i32 to index
      %parallel_loop3A_505 = tpu.vector_load %arg5[%parallel_loop3A_504] {strides = array<i32>} : memref<20000xi32, #tpu.memory_space<vmem>>, vector<16xi32>,
      %parallel_loop3A_506 = arith.andi %parallel_loop3A_505, %broadcast_in_dim3A_9 : vector<16xi32>
      %parallel_loop3A_507 = arith.constant 14 : i32
      %parallel_loop3A_508 = vector.broadcast %parallel_loop3A_507 : i32 to vector<16xi32>
      %parallel_loop3A_509 = arith.shrui %parallel_loop3A_505, %parallel_loop3A_508 : vector<16xi32>
      %parallel_loop3A_510 = arith.constant 10 : i32
      %parallel_loop3A_511 = vector.broadcast %parallel_loop3A_510 : i32 to vector<16xi32>
      %parallel_loop3A_512 = arith.cmpi slt, %parallel_loop3A_506, %parallel_loop3A_511 : vector<16xi32>
      %parallel_loop3A_513 = arith.select %parallel_loop3A_512, %broadcast_in_dim3A_11, %broadcast_in_dim3A_13 : vector<16xi1>, vector<16xf32>
      tpu.vector_store_idx %arg7[%parallel_loop3A_509], %parallel_loop3A_513 {add = true} : memref<10240xf32, #tpu.memory_space<vmem>>[vector<16xi32>], vector<16xf32>,
    } {sc.loop_unroll_factor = 4 : i64, sc.parallel_access}
    %mul3A_17 = arith.constant 10240 : i32
    %mul3A_18 = arith.muli %arg1, %mul3A_17 : i32
    "tpu.region"() ({
      %run_scoped3A = tpu.sem_alloc : memref<!tpu.dma_semaphore, #tpu.memory_space<semaphore_mem>>
      %dma_start3A_501 = tpu.memref_slice %arg10[%mul3A_18] : memref<163840xf32, #tpu.memory_space<vmem_shared>> -> memref<10240xf32, #tpu.memory_space<vmem_shared>>
      %dma_start3A_502 = tpu.memref_slice %arg10[%mul3A_18] : memref<163840xf32, #tpu.memory_space<vmem_shared>> -> memref<10240xf32, #tpu.memory_space<vmem_shared>>
      tpu.enqueue_dma source(%arg7 : memref<10240xf32, #tpu.memory_space<vmem>>) target(%dma_start3A_502 : memref<10240xf32, #tpu.memory_space<vmem_shared>>) target_semaphore(%run_scoped3A : memref<!tpu.dma_semaphore, #tpu.memory_space<semaphore_mem>>)
      %dma_wait3A_503 = tpu.memref_slice %arg10[%mul3A_18] : memref<163840xf32, #tpu.memory_space<vmem_shared>> -> memref<10240xf32, #tpu.memory_space<vmem_shared>>
      %dma_wait3A_504 = tpu.memref_slice %arg10[%mul3A_18] : memref<163840xf32, #tpu.memory_space<vmem_shared>> -> memref<10240xf32, #tpu.memory_space<vmem_shared>>
      tpu.wait_dma2 semaphore(%run_scoped3A : memref<!tpu.dma_semaphore, #tpu.memory_space<semaphore_mem>>) src(%arg7 : memref<10240xf32, #tpu.memory_space<vmem>>) dst(%dma_wait3A_504 : memref<10240xf32, #tpu.memory_space<vmem_shared>>)
      tpu.yield
    }) : () -> ()
    %barrier3A = arith.constant 0 : index
    tpu.barrier barrier_id(%barrier3A)
    %add3A = arith.constant 0 : i32
    %add3A_19 = arith.addi %add3A, %mul3A_3 : i32
    %dma_start3A_20 = arith.constant 0 : i32
    %dma_start3A_21 = tpu.memref_slice %arg8[%dma_start3A_20] : memref<10240xf32, #tpu.memory_space<vmem>> -> memref<640xf32, #tpu.memory_space<vmem>>
    %dma_start3A_22 = tpu.memref_slice %arg10[%add3A_19] : memref<163840xf32, #tpu.memory_space<vmem_shared>> -> memref<640xf32, #tpu.memory_space<vmem_shared>>
    %dma_start3A_23 = arith.constant 0 : i32
    %dma_start3A_24 = tpu.memref_slice %arg8[%dma_start3A_23] : memref<10240xf32, #tpu.memory_space<vmem>> -> memref<640xf32, #tpu.memory_space<vmem>>
    %dma_start3A_25 = tpu.memref_slice %arg10[%add3A_19] : memref<163840xf32, #tpu.memory_space<vmem_shared>> -> memref<640xf32, #tpu.memory_space<vmem_shared>>
    tpu.enqueue_dma source(%dma_start3A_25 : memref<640xf32, #tpu.memory_space<vmem_shared>>) target(%dma_start3A_24 : memref<640xf32, #tpu.memory_space<vmem>>) target_semaphore(%arg12 : memref<!tpu.dma_semaphore, #tpu.memory_space<semaphore_mem>>)
    %add3A_26 = arith.constant 10240 : i32
    %add3A_27 = arith.addi %add3A_26, %mul3A_3 : i32
    %dma_start3A_28 = arith.constant 640 : i32
    %dma_start3A_29 = tpu.memref_slice %arg8[%dma_start3A_28] : memref<10240xf32, #tpu.memory_space<vmem>> -> memref<640xf32, #tpu.memory_space<vmem>>
    %dma_start3A_30 = tpu.memref_slice %arg10[%add3A_27] : memref<163840xf32, #tpu.memory_space<vmem_shared>> -> memref<640xf32, #tpu.memory_space<vmem_shared>>
    %dma_start3A_31 = arith.constant 640 : i32
    %dma_start3A_32 = tpu.memref_slice %arg8[%dma_start3A_31] : memref<10240xf32, #tpu.memory_space<vmem>> -> memref<640xf32, #tpu.memory_space<vmem>>
    %dma_start3A_33 = tpu.memref_slice %arg10[%add3A_27] : memref<163840xf32, #tpu.memory_space<vmem_shared>> -> memref<640xf32, #tpu.memory_space<vmem_shared>>
    tpu.enqueue_dma source(%dma_start3A_33 : memref<640xf32, #tpu.memory_space<vmem_shared>>) target(%dma_start3A_32 : memref<640xf32, #tpu.memory_space<vmem>>) target_semaphore(%arg12 : memref<!tpu.dma_semaphore, #tpu.memory_space<semaphore_mem>>)
    %add3A_34 = arith.constant 20480 : i32
    %add3A_35 = arith.addi %add3A_34, %mul3A_3 : i32
    %dma_start3A_36 = arith.constant 1280 : i32
    %dma_start3A_37 = tpu.memref_slice %arg8[%dma_start3A_36] : memref<10240xf32, #tpu.memory_space<vmem>> -> memref<640xf32, #tpu.memory_space<vmem>>
    %dma_start3A_38 = tpu.memref_slice %arg10[%add3A_35] : memref<163840xf32, #tpu.memory_space<vmem_shared>> -> memref<640xf32, #tpu.memory_space<vmem_shared>>
    %dma_start3A_39 = arith.constant 1280 : i32
    %dma_start3A_40 = tpu.memref_slice %arg8[%dma_start3A_39] : memref<10240xf32, #tpu.memory_space<vmem>> -> memref<640xf32, #tpu.memory_space<vmem>>
    %dma_start3A_41 = tpu.memref_slice %arg10[%add3A_35] : memref<163840xf32, #tpu.memory_space<vmem_shared>> -> memref<640xf32, #tpu.memory_space<vmem_shared>>
    tpu.enqueue_dma source(%dma_start3A_41 : memref<640xf32, #tpu.memory_space<vmem_shared>>) target(%dma_start3A_40 : memref<640xf32, #tpu.memory_space<vmem>>) target_semaphore(%arg12 : memref<!tpu.dma_semaphore, #tpu.memory_space<semaphore_mem>>)
    %add3A_42 = arith.constant 30720 : i32
    %add3A_43 = arith.addi %add3A_42, %mul3A_3 : i32
    %dma_start3A_44 = arith.constant 1920 : i32
    %dma_start3A_45 = tpu.memref_slice %arg8[%dma_start3A_44] : memref<10240xf32, #tpu.memory_space<vmem>> -> memref<640xf32, #tpu.memory_space<vmem>>
    %dma_start3A_46 = tpu.memref_slice %arg10[%add3A_43] : memref<163840xf32, #tpu.memory_space<vmem_shared>> -> memref<640xf32, #tpu.memory_space<vmem_shared>>
    %dma_start3A_47 = arith.constant 1920 : i32
    %dma_start3A_48 = tpu.memref_slice %arg8[%dma_start3A_47] : memref<10240xf32, #tpu.memory_space<vmem>> -> memref<640xf32, #tpu.memory_space<vmem>>
    %dma_start3A_49 = tpu.memref_slice %arg10[%add3A_43] : memref<163840xf32, #tpu.memory_space<vmem_shared>> -> memref<640xf32, #tpu.memory_space<vmem_shared>>
    tpu.enqueue_dma source(%dma_start3A_49 : memref<640xf32, #tpu.memory_space<vmem_shared>>) target(%dma_start3A_48 : memref<640xf32, #tpu.memory_space<vmem>>) target_semaphore(%arg12 : memref<!tpu.dma_semaphore, #tpu.memory_space<semaphore_mem>>)
    %add3A_50 = arith.constant 40960 : i32
    %add3A_51 = arith.addi %add3A_50, %mul3A_3 : i32
    %dma_start3A_52 = arith.constant 2560 : i32
    %dma_start3A_53 = tpu.memref_slice %arg8[%dma_start3A_52] : memref<10240xf32, #tpu.memory_space<vmem>> -> memref<640xf32, #tpu.memory_space<vmem>>
    %dma_start3A_54 = tpu.memref_slice %arg10[%add3A_51] : memref<163840xf32, #tpu.memory_space<vmem_shared>> -> memref<640xf32, #tpu.memory_space<vmem_shared>>
    %dma_start3A_55 = arith.constant 2560 : i32
    %dma_start3A_56 = tpu.memref_slice %arg8[%dma_start3A_55] : memref<10240xf32, #tpu.memory_space<vmem>> -> memref<640xf32, #tpu.memory_space<vmem>>
    %dma_start3A_57 = tpu.memref_slice %arg10[%add3A_51] : memref<163840xf32, #tpu.memory_space<vmem_shared>> -> memref<640xf32, #tpu.memory_space<vmem_shared>>
    tpu.enqueue_dma source(%dma_start3A_57 : memref<640xf32, #tpu.memory_space<vmem_shared>>) target(%dma_start3A_56 : memref<640xf32, #tpu.memory_space<vmem>>) target_semaphore(%arg12 : memref<!tpu.dma_semaphore, #tpu.memory_space<semaphore_mem>>)
    %add3A_58 = arith.constant 51200 : i32
    %add3A_59 = arith.addi %add3A_58, %mul3A_3 : i32
    %dma_start3A_60 = arith.constant 3200 : i32
    %dma_start3A_61 = tpu.memref_slice %arg8[%dma_start3A_60] : memref<10240xf32, #tpu.memory_space<vmem>> -> memref<640xf32, #tpu.memory_space<vmem>>
    %dma_start3A_62 = tpu.memref_slice %arg10[%add3A_59] : memref<163840xf32, #tpu.memory_space<vmem_shared>> -> memref<640xf32, #tpu.memory_space<vmem_shared>>
    %dma_start3A_63 = arith.constant 3200 : i32
    %dma_start3A_64 = tpu.memref_slice %arg8[%dma_start3A_63] : memref<10240xf32, #tpu.memory_space<vmem>> -> memref<640xf32, #tpu.memory_space<vmem>>
    %dma_start3A_65 = tpu.memref_slice %arg10[%add3A_59] : memref<163840xf32, #tpu.memory_space<vmem_shared>> -> memref<640xf32, #tpu.memory_space<vmem_shared>>
    tpu.enqueue_dma source(%dma_start3A_65 : memref<640xf32, #tpu.memory_space<vmem_shared>>) target(%dma_start3A_64 : memref<640xf32, #tpu.memory_space<vmem>>) target_semaphore(%arg12 : memref<!tpu.dma_semaphore, #tpu.memory_space<semaphore_mem>>)
    %add3A_66 = arith.constant 61440 : i32
    %add3A_67 = arith.addi %add3A_66, %mul3A_3 : i32
    %dma_start3A_68 = arith.constant 3840 : i32
    %dma_start3A_69 = tpu.memref_slice %arg8[%dma_start3A_68] : memref<10240xf32, #tpu.memory_space<vmem>> -> memref<640xf32, #tpu.memory_space<vmem>>
    %dma_start3A_70 = tpu.memref_slice %arg10[%add3A_67] : memref<163840xf32, #tpu.memory_space<vmem_shared>> -> memref<640xf32, #tpu.memory_space<vmem_shared>>
    %dma_start3A_71 = arith.constant 3840 : i32
    %dma_start3A_72 = tpu.memref_slice %arg8[%dma_start3A_71] : memref<10240xf32, #tpu.memory_space<vmem>> -> memref<640xf32, #tpu.memory_space<vmem>>
    %dma_start3A_73 = tpu.memref_slice %arg10[%add3A_67] : memref<163840xf32, #tpu.memory_space<vmem_shared>> -> memref<640xf32, #tpu.memory_space<vmem_shared>>
    tpu.enqueue_dma source(%dma_start3A_73 : memref<640xf32, #tpu.memory_space<vmem_shared>>) target(%dma_start3A_72 : memref<640xf32, #tpu.memory_space<vmem>>) target_semaphore(%arg12 : memref<!tpu.dma_semaphore, #tpu.memory_space<semaphore_mem>>)
    %add3A_74 = arith.constant 71680 : i32
    %add3A_75 = arith.addi %add3A_74, %mul3A_3 : i32
    %dma_start3A_76 = arith.constant 4480 : i32
    %dma_start3A_77 = tpu.memref_slice %arg8[%dma_start3A_76] : memref<10240xf32, #tpu.memory_space<vmem>> -> memref<640xf32, #tpu.memory_space<vmem>>
    %dma_start3A_78 = tpu.memref_slice %arg10[%add3A_75] : memref<163840xf32, #tpu.memory_space<vmem_shared>> -> memref<640xf32, #tpu.memory_space<vmem_shared>>
    %dma_start3A_79 = arith.constant 4480 : i32
    %dma_start3A_80 = tpu.memref_slice %arg8[%dma_start3A_79] : memref<10240xf32, #tpu.memory_space<vmem>> -> memref<640xf32, #tpu.memory_space<vmem>>
    %dma_start3A_81 = tpu.memref_slice %arg10[%add3A_75] : memref<163840xf32, #tpu.memory_space<vmem_shared>> -> memref<640xf32, #tpu.memory_space<vmem_shared>>
    tpu.enqueue_dma source(%dma_start3A_81 : memref<640xf32, #tpu.memory_space<vmem_shared>>) target(%dma_start3A_80 : memref<640xf32, #tpu.memory_space<vmem>>) target_semaphore(%arg12 : memref<!tpu.dma_semaphore, #tpu.memory_space<semaphore_mem>>)
    %add3A_82 = arith.constant 81920 : i32
    %add3A_83 = arith.addi %add3A_82, %mul3A_3 : i32
    %dma_start3A_84 = arith.constant 5120 : i32
    %dma_start3A_85 = tpu.memref_slice %arg8[%dma_start3A_84] : memref<10240xf32, #tpu.memory_space<vmem>> -> memref<640xf32, #tpu.memory_space<vmem>>
    %dma_start3A_86 = tpu.memref_slice %arg10[%add3A_83] : memref<163840xf32, #tpu.memory_space<vmem_shared>> -> memref<640xf32, #tpu.memory_space<vmem_shared>>
    %dma_start3A_87 = arith.constant 5120 : i32
    %dma_start3A_88 = tpu.memref_slice %arg8[%dma_start3A_87] : memref<10240xf32, #tpu.memory_space<vmem>> -> memref<640xf32, #tpu.memory_space<vmem>>
    %dma_start3A_89 = tpu.memref_slice %arg10[%add3A_83] : memref<163840xf32, #tpu.memory_space<vmem_shared>> -> memref<640xf32, #tpu.memory_space<vmem_shared>>
    tpu.enqueue_dma source(%dma_start3A_89 : memref<640xf32, #tpu.memory_space<vmem_shared>>) target(%dma_start3A_88 : memref<640xf32, #tpu.memory_space<vmem>>) target_semaphore(%arg12 : memref<!tpu.dma_semaphore, #tpu.memory_space<semaphore_mem>>)
    %add3A_90 = arith.constant 92160 : i32
    %add3A_91 = arith.addi %add3A_90, %mul3A_3 : i32
    %dma_start3A_92 = arith.constant 5760 : i32
    %dma_start3A_93 = tpu.memref_slice %arg8[%dma_start3A_92] : memref<10240xf32, #tpu.memory_space<vmem>> -> memref<640xf32, #tpu.memory_space<vmem>>
    %dma_start3A_94 = tpu.memref_slice %arg10[%add3A_91] : memref<163840xf32, #tpu.memory_space<vmem_shared>> -> memref<640xf32, #tpu.memory_space<vmem_shared>>
    %dma_start3A_95 = arith.constant 5760 : i32
    %dma_start3A_96 = tpu.memref_slice %arg8[%dma_start3A_95] : memref<10240xf32, #tpu.memory_space<vmem>> -> memref<640xf32, #tpu.memory_space<vmem>>
    %dma_start3A_97 = tpu.memref_slice %arg10[%add3A_91] : memref<163840xf32, #tpu.memory_space<vmem_shared>> -> memref<640xf32, #tpu.memory_space<vmem_shared>>
    tpu.enqueue_dma source(%dma_start3A_97 : memref<640xf32, #tpu.memory_space<vmem_shared>>) target(%dma_start3A_96 : memref<640xf32, #tpu.memory_space<vmem>>) target_semaphore(%arg12 : memref<!tpu.dma_semaphore, #tpu.memory_space<semaphore_mem>>)
    %add3A_98 = arith.constant 102400 : i32
    %add3A_99 = arith.addi %add3A_98, %mul3A_3 : i32
    %dma_start3A_100 = arith.constant 6400 : i32
    %dma_start3A_101 = tpu.memref_slice %arg8[%dma_start3A_100] : memref<10240xf32, #tpu.memory_space<vmem>> -> memref<640xf32, #tpu.memory_space<vmem>>
    %dma_start3A_102 = tpu.memref_slice %arg10[%add3A_99] : memref<163840xf32, #tpu.memory_space<vmem_shared>> -> memref<640xf32, #tpu.memory_space<vmem_shared>>
    %dma_start3A_103 = arith.constant 6400 : i32
    %dma_start3A_104 = tpu.memref_slice %arg8[%dma_start3A_103] : memref<10240xf32, #tpu.memory_space<vmem>> -> memref<640xf32, #tpu.memory_space<vmem>>
    %dma_start3A_105 = tpu.memref_slice %arg10[%add3A_99] : memref<163840xf32, #tpu.memory_space<vmem_shared>> -> memref<640xf32, #tpu.memory_space<vmem_shared>>
    tpu.enqueue_dma source(%dma_start3A_105 : memref<640xf32, #tpu.memory_space<vmem_shared>>) target(%dma_start3A_104 : memref<640xf32, #tpu.memory_space<vmem>>) target_semaphore(%arg12 : memref<!tpu.dma_semaphore, #tpu.memory_space<semaphore_mem>>)
    %add3A_106 = arith.constant 112640 : i32
    %add3A_107 = arith.addi %add3A_106, %mul3A_3 : i32
    %dma_start3A_108 = arith.constant 7040 : i32
    %dma_start3A_109 = tpu.memref_slice %arg8[%dma_start3A_108] : memref<10240xf32, #tpu.memory_space<vmem>> -> memref<640xf32, #tpu.memory_space<vmem>>
    %dma_start3A_110 = tpu.memref_slice %arg10[%add3A_107] : memref<163840xf32, #tpu.memory_space<vmem_shared>> -> memref<640xf32, #tpu.memory_space<vmem_shared>>
    %dma_start3A_111 = arith.constant 7040 : i32
    %dma_start3A_112 = tpu.memref_slice %arg8[%dma_start3A_111] : memref<10240xf32, #tpu.memory_space<vmem>> -> memref<640xf32, #tpu.memory_space<vmem>>
    %dma_start3A_113 = tpu.memref_slice %arg10[%add3A_107] : memref<163840xf32, #tpu.memory_space<vmem_shared>> -> memref<640xf32, #tpu.memory_space<vmem_shared>>
    tpu.enqueue_dma source(%dma_start3A_113 : memref<640xf32, #tpu.memory_space<vmem_shared>>) target(%dma_start3A_112 : memref<640xf32, #tpu.memory_space<vmem>>) target_semaphore(%arg12 : memref<!tpu.dma_semaphore, #tpu.memory_space<semaphore_mem>>)
    %add3A_114 = arith.constant 122880 : i32
    %add3A_115 = arith.addi %add3A_114, %mul3A_3 : i32
    %dma_start3A_116 = arith.constant 7680 : i32
    %dma_start3A_117 = tpu.memref_slice %arg8[%dma_start3A_116] : memref<10240xf32, #tpu.memory_space<vmem>> -> memref<640xf32, #tpu.memory_space<vmem>>
    %dma_start3A_118 = tpu.memref_slice %arg10[%add3A_115] : memref<163840xf32, #tpu.memory_space<vmem_shared>> -> memref<640xf32, #tpu.memory_space<vmem_shared>>
    %dma_start3A_119 = arith.constant 7680 : i32
    %dma_start3A_120 = tpu.memref_slice %arg8[%dma_start3A_119] : memref<10240xf32, #tpu.memory_space<vmem>> -> memref<640xf32, #tpu.memory_space<vmem>>
    %dma_start3A_121 = tpu.memref_slice %arg10[%add3A_115] : memref<163840xf32, #tpu.memory_space<vmem_shared>> -> memref<640xf32, #tpu.memory_space<vmem_shared>>
    tpu.enqueue_dma source(%dma_start3A_121 : memref<640xf32, #tpu.memory_space<vmem_shared>>) target(%dma_start3A_120 : memref<640xf32, #tpu.memory_space<vmem>>) target_semaphore(%arg12 : memref<!tpu.dma_semaphore, #tpu.memory_space<semaphore_mem>>)
    %add3A_122 = arith.constant 133120 : i32
    %add3A_123 = arith.addi %add3A_122, %mul3A_3 : i32
    %dma_start3A_124 = arith.constant 8320 : i32
    %dma_start3A_125 = tpu.memref_slice %arg8[%dma_start3A_124] : memref<10240xf32, #tpu.memory_space<vmem>> -> memref<640xf32, #tpu.memory_space<vmem>>
    %dma_start3A_126 = tpu.memref_slice %arg10[%add3A_123] : memref<163840xf32, #tpu.memory_space<vmem_shared>> -> memref<640xf32, #tpu.memory_space<vmem_shared>>
    %dma_start3A_127 = arith.constant 8320 : i32
    %dma_start3A_128 = tpu.memref_slice %arg8[%dma_start3A_127] : memref<10240xf32, #tpu.memory_space<vmem>> -> memref<640xf32, #tpu.memory_space<vmem>>
    %dma_start3A_129 = tpu.memref_slice %arg10[%add3A_123] : memref<163840xf32, #tpu.memory_space<vmem_shared>> -> memref<640xf32, #tpu.memory_space<vmem_shared>>
    tpu.enqueue_dma source(%dma_start3A_129 : memref<640xf32, #tpu.memory_space<vmem_shared>>) target(%dma_start3A_128 : memref<640xf32, #tpu.memory_space<vmem>>) target_semaphore(%arg12 : memref<!tpu.dma_semaphore, #tpu.memory_space<semaphore_mem>>)
    %add3A_130 = arith.constant 143360 : i32
    %add3A_131 = arith.addi %add3A_130, %mul3A_3 : i32
    %dma_start3A_132 = arith.constant 8960 : i32
    %dma_start3A_133 = tpu.memref_slice %arg8[%dma_start3A_132] : memref<10240xf32, #tpu.memory_space<vmem>> -> memref<640xf32, #tpu.memory_space<vmem>>
    %dma_start3A_134 = tpu.memref_slice %arg10[%add3A_131] : memref<163840xf32, #tpu.memory_space<vmem_shared>> -> memref<640xf32, #tpu.memory_space<vmem_shared>>
    %dma_start3A_135 = arith.constant 8960 : i32
    %dma_start3A_136 = tpu.memref_slice %arg8[%dma_start3A_135] : memref<10240xf32, #tpu.memory_space<vmem>> -> memref<640xf32, #tpu.memory_space<vmem>>
    %dma_start3A_137 = tpu.memref_slice %arg10[%add3A_131] : memref<163840xf32, #tpu.memory_space<vmem_shared>> -> memref<640xf32, #tpu.memory_space<vmem_shared>>
    tpu.enqueue_dma source(%dma_start3A_137 : memref<640xf32, #tpu.memory_space<vmem_shared>>) target(%dma_start3A_136 : memref<640xf32, #tpu.memory_space<vmem>>) target_semaphore(%arg12 : memref<!tpu.dma_semaphore, #tpu.memory_space<semaphore_mem>>)
    %add3A_138 = arith.constant 153600 : i32
    %add3A_139 = arith.addi %add3A_138, %mul3A_3 : i32
    %dma_start3A_140 = arith.constant 9600 : i32
    %dma_start3A_141 = tpu.memref_slice %arg8[%dma_start3A_140] : memref<10240xf32, #tpu.memory_space<vmem>> -> memref<640xf32, #tpu.memory_space<vmem>>
    %dma_start3A_142 = tpu.memref_slice %arg10[%add3A_139] : memref<163840xf32, #tpu.memory_space<vmem_shared>> -> memref<640xf32, #tpu.memory_space<vmem_shared>>
    %dma_start3A_143 = arith.constant 9600 : i32
    %dma_start3A_144 = tpu.memref_slice %arg8[%dma_start3A_143] : memref<10240xf32, #tpu.memory_space<vmem>> -> memref<640xf32, #tpu.memory_space<vmem>>
    %dma_start3A_145 = tpu.memref_slice %arg10[%add3A_139] : memref<163840xf32, #tpu.memory_space<vmem_shared>> -> memref<640xf32, #tpu.memory_space<vmem_shared>>
    tpu.enqueue_dma source(%dma_start3A_145 : memref<640xf32, #tpu.memory_space<vmem_shared>>) target(%dma_start3A_144 : memref<640xf32, #tpu.memory_space<vmem>>) target_semaphore(%arg12 : memref<!tpu.dma_semaphore, #tpu.memory_space<semaphore_mem>>)
    %dma_wait3A_146 = arith.constant 0 : i32
    %dma_wait3A_147 = tpu.memref_slice %arg8[%dma_wait3A_146] : memref<10240xf32, #tpu.memory_space<vmem>> -> memref<640xf32, #tpu.memory_space<vmem>>
    %dma_wait3A_148 = tpu.memref_slice %arg10[%add3A_19] : memref<163840xf32, #tpu.memory_space<vmem_shared>> -> memref<640xf32, #tpu.memory_space<vmem_shared>>
    %dma_wait3A_149 = arith.constant 0 : i32
    %dma_wait3A_150 = tpu.memref_slice %arg8[%dma_wait3A_149] : memref<10240xf32, #tpu.memory_space<vmem>> -> memref<640xf32, #tpu.memory_space<vmem>>
    %dma_wait3A_151 = tpu.memref_slice %arg10[%add3A_19] : memref<163840xf32, #tpu.memory_space<vmem_shared>> -> memref<640xf32, #tpu.memory_space<vmem_shared>>
    tpu.wait_dma2 semaphore(%arg12 : memref<!tpu.dma_semaphore, #tpu.memory_space<semaphore_mem>>) src(%dma_wait3A_151 : memref<640xf32, #tpu.memory_space<vmem_shared>>) dst(%dma_wait3A_150 : memref<640xf32, #tpu.memory_space<vmem>>)
    %dma_wait3A_152 = arith.constant 640 : i32
    %dma_wait3A_153 = tpu.memref_slice %arg8[%dma_wait3A_152] : memref<10240xf32, #tpu.memory_space<vmem>> -> memref<640xf32, #tpu.memory_space<vmem>>
    %dma_wait3A_154 = tpu.memref_slice %arg10[%add3A_27] : memref<163840xf32, #tpu.memory_space<vmem_shared>> -> memref<640xf32, #tpu.memory_space<vmem_shared>>
    %dma_wait3A_155 = arith.constant 640 : i32
    %dma_wait3A_156 = tpu.memref_slice %arg8[%dma_wait3A_155] : memref<10240xf32, #tpu.memory_space<vmem>> -> memref<640xf32, #tpu.memory_space<vmem>>
    %dma_wait3A_157 = tpu.memref_slice %arg10[%add3A_27] : memref<163840xf32, #tpu.memory_space<vmem_shared>> -> memref<640xf32, #tpu.memory_space<vmem_shared>>
    tpu.wait_dma2 semaphore(%arg12 : memref<!tpu.dma_semaphore, #tpu.memory_space<semaphore_mem>>) src(%dma_wait3A_157 : memref<640xf32, #tpu.memory_space<vmem_shared>>) dst(%dma_wait3A_156 : memref<640xf32, #tpu.memory_space<vmem>>)
    %dma_wait3A_158 = arith.constant 1280 : i32
    %dma_wait3A_159 = tpu.memref_slice %arg8[%dma_wait3A_158] : memref<10240xf32, #tpu.memory_space<vmem>> -> memref<640xf32, #tpu.memory_space<vmem>>
    %dma_wait3A_160 = tpu.memref_slice %arg10[%add3A_35] : memref<163840xf32, #tpu.memory_space<vmem_shared>> -> memref<640xf32, #tpu.memory_space<vmem_shared>>
    %dma_wait3A_161 = arith.constant 1280 : i32
    %dma_wait3A_162 = tpu.memref_slice %arg8[%dma_wait3A_161] : memref<10240xf32, #tpu.memory_space<vmem>> -> memref<640xf32, #tpu.memory_space<vmem>>
    %dma_wait3A_163 = tpu.memref_slice %arg10[%add3A_35] : memref<163840xf32, #tpu.memory_space<vmem_shared>> -> memref<640xf32, #tpu.memory_space<vmem_shared>>
    tpu.wait_dma2 semaphore(%arg12 : memref<!tpu.dma_semaphore, #tpu.memory_space<semaphore_mem>>) src(%dma_wait3A_163 : memref<640xf32, #tpu.memory_space<vmem_shared>>) dst(%dma_wait3A_162 : memref<640xf32, #tpu.memory_space<vmem>>)
    %dma_wait3A_164 = arith.constant 1920 : i32
    %dma_wait3A_165 = tpu.memref_slice %arg8[%dma_wait3A_164] : memref<10240xf32, #tpu.memory_space<vmem>> -> memref<640xf32, #tpu.memory_space<vmem>>
    %dma_wait3A_166 = tpu.memref_slice %arg10[%add3A_43] : memref<163840xf32, #tpu.memory_space<vmem_shared>> -> memref<640xf32, #tpu.memory_space<vmem_shared>>
    %dma_wait3A_167 = arith.constant 1920 : i32
    %dma_wait3A_168 = tpu.memref_slice %arg8[%dma_wait3A_167] : memref<10240xf32, #tpu.memory_space<vmem>> -> memref<640xf32, #tpu.memory_space<vmem>>
    %dma_wait3A_169 = tpu.memref_slice %arg10[%add3A_43] : memref<163840xf32, #tpu.memory_space<vmem_shared>> -> memref<640xf32, #tpu.memory_space<vmem_shared>>
    tpu.wait_dma2 semaphore(%arg12 : memref<!tpu.dma_semaphore, #tpu.memory_space<semaphore_mem>>) src(%dma_wait3A_169 : memref<640xf32, #tpu.memory_space<vmem_shared>>) dst(%dma_wait3A_168 : memref<640xf32, #tpu.memory_space<vmem>>)
    %dma_wait3A_170 = arith.constant 2560 : i32
    %dma_wait3A_171 = tpu.memref_slice %arg8[%dma_wait3A_170] : memref<10240xf32, #tpu.memory_space<vmem>> -> memref<640xf32, #tpu.memory_space<vmem>>
    %dma_wait3A_172 = tpu.memref_slice %arg10[%add3A_51] : memref<163840xf32, #tpu.memory_space<vmem_shared>> -> memref<640xf32, #tpu.memory_space<vmem_shared>>
    %dma_wait3A_173 = arith.constant 2560 : i32
    %dma_wait3A_174 = tpu.memref_slice %arg8[%dma_wait3A_173] : memref<10240xf32, #tpu.memory_space<vmem>> -> memref<640xf32, #tpu.memory_space<vmem>>
    %dma_wait3A_175 = tpu.memref_slice %arg10[%add3A_51] : memref<163840xf32, #tpu.memory_space<vmem_shared>> -> memref<640xf32, #tpu.memory_space<vmem_shared>>
    tpu.wait_dma2 semaphore(%arg12 : memref<!tpu.dma_semaphore, #tpu.memory_space<semaphore_mem>>) src(%dma_wait3A_175 : memref<640xf32, #tpu.memory_space<vmem_shared>>) dst(%dma_wait3A_174 : memref<640xf32, #tpu.memory_space<vmem>>)
    %dma_wait3A_176 = arith.constant 3200 : i32
    %dma_wait3A_177 = tpu.memref_slice %arg8[%dma_wait3A_176] : memref<10240xf32, #tpu.memory_space<vmem>> -> memref<640xf32, #tpu.memory_space<vmem>>
    %dma_wait3A_178 = tpu.memref_slice %arg10[%add3A_59] : memref<163840xf32, #tpu.memory_space<vmem_shared>> -> memref<640xf32, #tpu.memory_space<vmem_shared>>
    %dma_wait3A_179 = arith.constant 3200 : i32
    %dma_wait3A_180 = tpu.memref_slice %arg8[%dma_wait3A_179] : memref<10240xf32, #tpu.memory_space<vmem>> -> memref<640xf32, #tpu.memory_space<vmem>>
    %dma_wait3A_181 = tpu.memref_slice %arg10[%add3A_59] : memref<163840xf32, #tpu.memory_space<vmem_shared>> -> memref<640xf32, #tpu.memory_space<vmem_shared>>
    tpu.wait_dma2 semaphore(%arg12 : memref<!tpu.dma_semaphore, #tpu.memory_space<semaphore_mem>>) src(%dma_wait3A_181 : memref<640xf32, #tpu.memory_space<vmem_shared>>) dst(%dma_wait3A_180 : memref<640xf32, #tpu.memory_space<vmem>>)
    %dma_wait3A_182 = arith.constant 3840 : i32
    %dma_wait3A_183 = tpu.memref_slice %arg8[%dma_wait3A_182] : memref<10240xf32, #tpu.memory_space<vmem>> -> memref<640xf32, #tpu.memory_space<vmem>>
    %dma_wait3A_184 = tpu.memref_slice %arg10[%add3A_67] : memref<163840xf32, #tpu.memory_space<vmem_shared>> -> memref<640xf32, #tpu.memory_space<vmem_shared>>
    %dma_wait3A_185 = arith.constant 3840 : i32
    %dma_wait3A_186 = tpu.memref_slice %arg8[%dma_wait3A_185] : memref<10240xf32, #tpu.memory_space<vmem>> -> memref<640xf32, #tpu.memory_space<vmem>>
    %dma_wait3A_187 = tpu.memref_slice %arg10[%add3A_67] : memref<163840xf32, #tpu.memory_space<vmem_shared>> -> memref<640xf32, #tpu.memory_space<vmem_shared>>
    tpu.wait_dma2 semaphore(%arg12 : memref<!tpu.dma_semaphore, #tpu.memory_space<semaphore_mem>>) src(%dma_wait3A_187 : memref<640xf32, #tpu.memory_space<vmem_shared>>) dst(%dma_wait3A_186 : memref<640xf32, #tpu.memory_space<vmem>>)
    %dma_wait3A_188 = arith.constant 4480 : i32
    %dma_wait3A_189 = tpu.memref_slice %arg8[%dma_wait3A_188] : memref<10240xf32, #tpu.memory_space<vmem>> -> memref<640xf32, #tpu.memory_space<vmem>>
    %dma_wait3A_190 = tpu.memref_slice %arg10[%add3A_75] : memref<163840xf32, #tpu.memory_space<vmem_shared>> -> memref<640xf32, #tpu.memory_space<vmem_shared>>
    %dma_wait3A_191 = arith.constant 4480 : i32
    %dma_wait3A_192 = tpu.memref_slice %arg8[%dma_wait3A_191] : memref<10240xf32, #tpu.memory_space<vmem>> -> memref<640xf32, #tpu.memory_space<vmem>>
    %dma_wait3A_193 = tpu.memref_slice %arg10[%add3A_75] : memref<163840xf32, #tpu.memory_space<vmem_shared>> -> memref<640xf32, #tpu.memory_space<vmem_shared>>
    tpu.wait_dma2 semaphore(%arg12 : memref<!tpu.dma_semaphore, #tpu.memory_space<semaphore_mem>>) src(%dma_wait3A_193 : memref<640xf32, #tpu.memory_space<vmem_shared>>) dst(%dma_wait3A_192 : memref<640xf32, #tpu.memory_space<vmem>>)
    %dma_wait3A_194 = arith.constant 5120 : i32
    %dma_wait3A_195 = tpu.memref_slice %arg8[%dma_wait3A_194] : memref<10240xf32, #tpu.memory_space<vmem>> -> memref<640xf32, #tpu.memory_space<vmem>>
    %dma_wait3A_196 = tpu.memref_slice %arg10[%add3A_83] : memref<163840xf32, #tpu.memory_space<vmem_shared>> -> memref<640xf32, #tpu.memory_space<vmem_shared>>
    %dma_wait3A_197 = arith.constant 5120 : i32
    %dma_wait3A_198 = tpu.memref_slice %arg8[%dma_wait3A_197] : memref<10240xf32, #tpu.memory_space<vmem>> -> memref<640xf32, #tpu.memory_space<vmem>>
    %dma_wait3A_199 = tpu.memref_slice %arg10[%add3A_83] : memref<163840xf32, #tpu.memory_space<vmem_shared>> -> memref<640xf32, #tpu.memory_space<vmem_shared>>
    tpu.wait_dma2 semaphore(%arg12 : memref<!tpu.dma_semaphore, #tpu.memory_space<semaphore_mem>>) src(%dma_wait3A_199 : memref<640xf32, #tpu.memory_space<vmem_shared>>) dst(%dma_wait3A_198 : memref<640xf32, #tpu.memory_space<vmem>>)
    %dma_wait3A_200 = arith.constant 5760 : i32
    %dma_wait3A_201 = tpu.memref_slice %arg8[%dma_wait3A_200] : memref<10240xf32, #tpu.memory_space<vmem>> -> memref<640xf32, #tpu.memory_space<vmem>>
    %dma_wait3A_202 = tpu.memref_slice %arg10[%add3A_91] : memref<163840xf32, #tpu.memory_space<vmem_shared>> -> memref<640xf32, #tpu.memory_space<vmem_shared>>
    %dma_wait3A_203 = arith.constant 5760 : i32
    %dma_wait3A_204 = tpu.memref_slice %arg8[%dma_wait3A_203] : memref<10240xf32, #tpu.memory_space<vmem>> -> memref<640xf32, #tpu.memory_space<vmem>>
    %dma_wait3A_205 = tpu.memref_slice %arg10[%add3A_91] : memref<163840xf32, #tpu.memory_space<vmem_shared>> -> memref<640xf32, #tpu.memory_space<vmem_shared>>
    tpu.wait_dma2 semaphore(%arg12 : memref<!tpu.dma_semaphore, #tpu.memory_space<semaphore_mem>>) src(%dma_wait3A_205 : memref<640xf32, #tpu.memory_space<vmem_shared>>) dst(%dma_wait3A_204 : memref<640xf32, #tpu.memory_space<vmem>>)
    %dma_wait3A_206 = arith.constant 6400 : i32
    %dma_wait3A_207 = tpu.memref_slice %arg8[%dma_wait3A_206] : memref<10240xf32, #tpu.memory_space<vmem>> -> memref<640xf32, #tpu.memory_space<vmem>>
    %dma_wait3A_208 = tpu.memref_slice %arg10[%add3A_99] : memref<163840xf32, #tpu.memory_space<vmem_shared>> -> memref<640xf32, #tpu.memory_space<vmem_shared>>
    %dma_wait3A_209 = arith.constant 6400 : i32
    %dma_wait3A_210 = tpu.memref_slice %arg8[%dma_wait3A_209] : memref<10240xf32, #tpu.memory_space<vmem>> -> memref<640xf32, #tpu.memory_space<vmem>>
    %dma_wait3A_211 = tpu.memref_slice %arg10[%add3A_99] : memref<163840xf32, #tpu.memory_space<vmem_shared>> -> memref<640xf32, #tpu.memory_space<vmem_shared>>
    tpu.wait_dma2 semaphore(%arg12 : memref<!tpu.dma_semaphore, #tpu.memory_space<semaphore_mem>>) src(%dma_wait3A_211 : memref<640xf32, #tpu.memory_space<vmem_shared>>) dst(%dma_wait3A_210 : memref<640xf32, #tpu.memory_space<vmem>>)
    %dma_wait3A_212 = arith.constant 7040 : i32
    %dma_wait3A_213 = tpu.memref_slice %arg8[%dma_wait3A_212] : memref<10240xf32, #tpu.memory_space<vmem>> -> memref<640xf32, #tpu.memory_space<vmem>>
    %dma_wait3A_214 = tpu.memref_slice %arg10[%add3A_107] : memref<163840xf32, #tpu.memory_space<vmem_shared>> -> memref<640xf32, #tpu.memory_space<vmem_shared>>
    %dma_wait3A_215 = arith.constant 7040 : i32
    %dma_wait3A_216 = tpu.memref_slice %arg8[%dma_wait3A_215] : memref<10240xf32, #tpu.memory_space<vmem>> -> memref<640xf32, #tpu.memory_space<vmem>>
    %dma_wait3A_217 = tpu.memref_slice %arg10[%add3A_107] : memref<163840xf32, #tpu.memory_space<vmem_shared>> -> memref<640xf32, #tpu.memory_space<vmem_shared>>
    tpu.wait_dma2 semaphore(%arg12 : memref<!tpu.dma_semaphore, #tpu.memory_space<semaphore_mem>>) src(%dma_wait3A_217 : memref<640xf32, #tpu.memory_space<vmem_shared>>) dst(%dma_wait3A_216 : memref<640xf32, #tpu.memory_space<vmem>>)
    %dma_wait3A_218 = arith.constant 7680 : i32
    %dma_wait3A_219 = tpu.memref_slice %arg8[%dma_wait3A_218] : memref<10240xf32, #tpu.memory_space<vmem>> -> memref<640xf32, #tpu.memory_space<vmem>>
    %dma_wait3A_220 = tpu.memref_slice %arg10[%add3A_115] : memref<163840xf32, #tpu.memory_space<vmem_shared>> -> memref<640xf32, #tpu.memory_space<vmem_shared>>
    %dma_wait3A_221 = arith.constant 7680 : i32
    %dma_wait3A_222 = tpu.memref_slice %arg8[%dma_wait3A_221] : memref<10240xf32, #tpu.memory_space<vmem>> -> memref<640xf32, #tpu.memory_space<vmem>>
    %dma_wait3A_223 = tpu.memref_slice %arg10[%add3A_115] : memref<163840xf32, #tpu.memory_space<vmem_shared>> -> memref<640xf32, #tpu.memory_space<vmem_shared>>
    tpu.wait_dma2 semaphore(%arg12 : memref<!tpu.dma_semaphore, #tpu.memory_space<semaphore_mem>>) src(%dma_wait3A_223 : memref<640xf32, #tpu.memory_space<vmem_shared>>) dst(%dma_wait3A_222 : memref<640xf32, #tpu.memory_space<vmem>>)
    %dma_wait3A_224 = arith.constant 8320 : i32
    %dma_wait3A_225 = tpu.memref_slice %arg8[%dma_wait3A_224] : memref<10240xf32, #tpu.memory_space<vmem>> -> memref<640xf32, #tpu.memory_space<vmem>>
    %dma_wait3A_226 = tpu.memref_slice %arg10[%add3A_123] : memref<163840xf32, #tpu.memory_space<vmem_shared>> -> memref<640xf32, #tpu.memory_space<vmem_shared>>
    %dma_wait3A_227 = arith.constant 8320 : i32
    %dma_wait3A_228 = tpu.memref_slice %arg8[%dma_wait3A_227] : memref<10240xf32, #tpu.memory_space<vmem>> -> memref<640xf32, #tpu.memory_space<vmem>>
    %dma_wait3A_229 = tpu.memref_slice %arg10[%add3A_123] : memref<163840xf32, #tpu.memory_space<vmem_shared>> -> memref<640xf32, #tpu.memory_space<vmem_shared>>
    tpu.wait_dma2 semaphore(%arg12 : memref<!tpu.dma_semaphore, #tpu.memory_space<semaphore_mem>>) src(%dma_wait3A_229 : memref<640xf32, #tpu.memory_space<vmem_shared>>) dst(%dma_wait3A_228 : memref<640xf32, #tpu.memory_space<vmem>>)
    %dma_wait3A_230 = arith.constant 8960 : i32
    %dma_wait3A_231 = tpu.memref_slice %arg8[%dma_wait3A_230] : memref<10240xf32, #tpu.memory_space<vmem>> -> memref<640xf32, #tpu.memory_space<vmem>>
    %dma_wait3A_232 = tpu.memref_slice %arg10[%add3A_131] : memref<163840xf32, #tpu.memory_space<vmem_shared>> -> memref<640xf32, #tpu.memory_space<vmem_shared>>
    %dma_wait3A_233 = arith.constant 8960 : i32
    %dma_wait3A_234 = tpu.memref_slice %arg8[%dma_wait3A_233] : memref<10240xf32, #tpu.memory_space<vmem>> -> memref<640xf32, #tpu.memory_space<vmem>>
    %dma_wait3A_235 = tpu.memref_slice %arg10[%add3A_131] : memref<163840xf32, #tpu.memory_space<vmem_shared>> -> memref<640xf32, #tpu.memory_space<vmem_shared>>
    tpu.wait_dma2 semaphore(%arg12 : memref<!tpu.dma_semaphore, #tpu.memory_space<semaphore_mem>>) src(%dma_wait3A_235 : memref<640xf32, #tpu.memory_space<vmem_shared>>) dst(%dma_wait3A_234 : memref<640xf32, #tpu.memory_space<vmem>>)
    %dma_wait3A_236 = arith.constant 9600 : i32
    %dma_wait3A_237 = tpu.memref_slice %arg8[%dma_wait3A_236] : memref<10240xf32, #tpu.memory_space<vmem>> -> memref<640xf32, #tpu.memory_space<vmem>>
    %dma_wait3A_238 = tpu.memref_slice %arg10[%add3A_139] : memref<163840xf32, #tpu.memory_space<vmem_shared>> -> memref<640xf32, #tpu.memory_space<vmem_shared>>
    %dma_wait3A_239 = arith.constant 9600 : i32
    %dma_wait3A_240 = tpu.memref_slice %arg8[%dma_wait3A_239] : memref<10240xf32, #tpu.memory_space<vmem>> -> memref<640xf32, #tpu.memory_space<vmem>>
    %dma_wait3A_241 = tpu.memref_slice %arg10[%add3A_139] : memref<163840xf32, #tpu.memory_space<vmem_shared>> -> memref<640xf32, #tpu.memory_space<vmem_shared>>
    tpu.wait_dma2 semaphore(%arg12 : memref<!tpu.dma_semaphore, #tpu.memory_space<semaphore_mem>>) src(%dma_wait3A_241 : memref<640xf32, #tpu.memory_space<vmem_shared>>) dst(%dma_wait3A_240 : memref<640xf32, #tpu.memory_space<vmem>>)
    %parallel_loop3A_242 = arith.constant 0 : i32
    %parallel_loop3A_243 = arith.constant 40 : i32
    %parallel_loop3A_244 = arith.constant 1 : i32
    scf.for %parallel_loop3A_501 = %parallel_loop3A_242 to %parallel_loop3A_243 step %parallel_loop3A_244  : i32 {
      %parallel_loop3A_502 = arith.constant 16 : i32
      %parallel_loop3A_503 = arith.muli %parallel_loop3A_501, %parallel_loop3A_502 : i32
      %parallel_loop3A_504 = arith.index_cast %parallel_loop3A_503 : i32 to index
      %parallel_loop3A_505 = tpu.vector_load %arg8[%parallel_loop3A_504] {strides = array<i32>} : memref<10240xf32, #tpu.memory_space<vmem>>, vector<16xf32>,
      %parallel_loop3A_506 = arith.constant 16 : i32
      %parallel_loop3A_507 = arith.muli %parallel_loop3A_501, %parallel_loop3A_506 : i32
      %parallel_loop3A_508 = arith.constant 640 : i32
      %parallel_loop3A_509 = arith.addi %parallel_loop3A_508, %parallel_loop3A_507 : i32
      %parallel_loop3A_510 = arith.index_cast %parallel_loop3A_509 : i32 to index
      %parallel_loop3A_511 = tpu.vector_load %arg8[%parallel_loop3A_510] {strides = array<i32>} : memref<10240xf32, #tpu.memory_space<vmem>>, vector<16xf32>,
      %parallel_loop3A_512 = arith.addf %parallel_loop3A_505, %parallel_loop3A_511 : vector<16xf32>
      %parallel_loop3A_513 = arith.constant 16 : i32
      %parallel_loop3A_514 = arith.muli %parallel_loop3A_501, %parallel_loop3A_513 : i32
      %parallel_loop3A_515 = arith.constant 1280 : i32
      %parallel_loop3A_516 = arith.addi %parallel_loop3A_515, %parallel_loop3A_514 : i32
      %parallel_loop3A_517 = arith.index_cast %parallel_loop3A_516 : i32 to index
      %parallel_loop3A_518 = tpu.vector_load %arg8[%parallel_loop3A_517] {strides = array<i32>} : memref<10240xf32, #tpu.memory_space<vmem>>, vector<16xf32>,
      %parallel_loop3A_519 = arith.addf %parallel_loop3A_512, %parallel_loop3A_518 : vector<16xf32>
      %parallel_loop3A_520 = arith.constant 16 : i32
      %parallel_loop3A_521 = arith.muli %parallel_loop3A_501, %parallel_loop3A_520 : i32
      %parallel_loop3A_522 = arith.constant 1920 : i32
      %parallel_loop3A_523 = arith.addi %parallel_loop3A_522, %parallel_loop3A_521 : i32
      %parallel_loop3A_524 = arith.index_cast %parallel_loop3A_523 : i32 to index
      %parallel_loop3A_525 = tpu.vector_load %arg8[%parallel_loop3A_524] {strides = array<i32>} : memref<10240xf32, #tpu.memory_space<vmem>>, vector<16xf32>,
      %parallel_loop3A_526 = arith.addf %parallel_loop3A_519, %parallel_loop3A_525 : vector<16xf32>
      %parallel_loop3A_527 = arith.constant 16 : i32
      %parallel_loop3A_528 = arith.muli %parallel_loop3A_501, %parallel_loop3A_527 : i32
      %parallel_loop3A_529 = arith.constant 2560 : i32
      %parallel_loop3A_530 = arith.addi %parallel_loop3A_529, %parallel_loop3A_528 : i32
      %parallel_loop3A_531 = arith.index_cast %parallel_loop3A_530 : i32 to index
      %parallel_loop3A_532 = tpu.vector_load %arg8[%parallel_loop3A_531] {strides = array<i32>} : memref<10240xf32, #tpu.memory_space<vmem>>, vector<16xf32>,
      %parallel_loop3A_533 = arith.addf %parallel_loop3A_526, %parallel_loop3A_532 : vector<16xf32>
      %parallel_loop3A_534 = arith.constant 16 : i32
      %parallel_loop3A_535 = arith.muli %parallel_loop3A_501, %parallel_loop3A_534 : i32
      %parallel_loop3A_536 = arith.constant 3200 : i32
      %parallel_loop3A_537 = arith.addi %parallel_loop3A_536, %parallel_loop3A_535 : i32
      %parallel_loop3A_538 = arith.index_cast %parallel_loop3A_537 : i32 to index
      %parallel_loop3A_539 = tpu.vector_load %arg8[%parallel_loop3A_538] {strides = array<i32>} : memref<10240xf32, #tpu.memory_space<vmem>>, vector<16xf32>,
      %parallel_loop3A_540 = arith.addf %parallel_loop3A_533, %parallel_loop3A_539 : vector<16xf32>
      %parallel_loop3A_541 = arith.constant 16 : i32
      %parallel_loop3A_542 = arith.muli %parallel_loop3A_501, %parallel_loop3A_541 : i32
      %parallel_loop3A_543 = arith.constant 3840 : i32
      %parallel_loop3A_544 = arith.addi %parallel_loop3A_543, %parallel_loop3A_542 : i32
      %parallel_loop3A_545 = arith.index_cast %parallel_loop3A_544 : i32 to index
      %parallel_loop3A_546 = tpu.vector_load %arg8[%parallel_loop3A_545] {strides = array<i32>} : memref<10240xf32, #tpu.memory_space<vmem>>, vector<16xf32>,
      %parallel_loop3A_547 = arith.addf %parallel_loop3A_540, %parallel_loop3A_546 : vector<16xf32>
      %parallel_loop3A_548 = arith.constant 16 : i32
      %parallel_loop3A_549 = arith.muli %parallel_loop3A_501, %parallel_loop3A_548 : i32
      %parallel_loop3A_550 = arith.constant 4480 : i32
      %parallel_loop3A_551 = arith.addi %parallel_loop3A_550, %parallel_loop3A_549 : i32
      %parallel_loop3A_552 = arith.index_cast %parallel_loop3A_551 : i32 to index
      %parallel_loop3A_553 = tpu.vector_load %arg8[%parallel_loop3A_552] {strides = array<i32>} : memref<10240xf32, #tpu.memory_space<vmem>>, vector<16xf32>,
      %parallel_loop3A_554 = arith.addf %parallel_loop3A_547, %parallel_loop3A_553 : vector<16xf32>
      %parallel_loop3A_555 = arith.constant 16 : i32
      %parallel_loop3A_556 = arith.muli %parallel_loop3A_501, %parallel_loop3A_555 : i32
      %parallel_loop3A_557 = arith.constant 5120 : i32
      %parallel_loop3A_558 = arith.addi %parallel_loop3A_557, %parallel_loop3A_556 : i32
      %parallel_loop3A_559 = arith.index_cast %parallel_loop3A_558 : i32 to index
      %parallel_loop3A_560 = tpu.vector_load %arg8[%parallel_loop3A_559] {strides = array<i32>} : memref<10240xf32, #tpu.memory_space<vmem>>, vector<16xf32>,
      %parallel_loop3A_561 = arith.addf %parallel_loop3A_554, %parallel_loop3A_560 : vector<16xf32>
      %parallel_loop3A_562 = arith.constant 16 : i32
      %parallel_loop3A_563 = arith.muli %parallel_loop3A_501, %parallel_loop3A_562 : i32
      %parallel_loop3A_564 = arith.constant 5760 : i32
      %parallel_loop3A_565 = arith.addi %parallel_loop3A_564, %parallel_loop3A_563 : i32
      %parallel_loop3A_566 = arith.index_cast %parallel_loop3A_565 : i32 to index
      %parallel_loop3A_567 = tpu.vector_load %arg8[%parallel_loop3A_566] {strides = array<i32>} : memref<10240xf32, #tpu.memory_space<vmem>>, vector<16xf32>,
      %parallel_loop3A_568 = arith.addf %parallel_loop3A_561, %parallel_loop3A_567 : vector<16xf32>
      %parallel_loop3A_569 = arith.constant 16 : i32
      %parallel_loop3A_570 = arith.muli %parallel_loop3A_501, %parallel_loop3A_569 : i32
      %parallel_loop3A_571 = arith.constant 6400 : i32
      %parallel_loop3A_572 = arith.addi %parallel_loop3A_571, %parallel_loop3A_570 : i32
      %parallel_loop3A_573 = arith.index_cast %parallel_loop3A_572 : i32 to index
      %parallel_loop3A_574 = tpu.vector_load %arg8[%parallel_loop3A_573] {strides = array<i32>} : memref<10240xf32, #tpu.memory_space<vmem>>, vector<16xf32>,
      %parallel_loop3A_575 = arith.addf %parallel_loop3A_568, %parallel_loop3A_574 : vector<16xf32>
      %parallel_loop3A_576 = arith.constant 16 : i32
      %parallel_loop3A_577 = arith.muli %parallel_loop3A_501, %parallel_loop3A_576 : i32
      %parallel_loop3A_578 = arith.constant 7040 : i32
      %parallel_loop3A_579 = arith.addi %parallel_loop3A_578, %parallel_loop3A_577 : i32
      %parallel_loop3A_580 = arith.index_cast %parallel_loop3A_579 : i32 to index
      %parallel_loop3A_581 = tpu.vector_load %arg8[%parallel_loop3A_580] {strides = array<i32>} : memref<10240xf32, #tpu.memory_space<vmem>>, vector<16xf32>,
      %parallel_loop3A_582 = arith.addf %parallel_loop3A_575, %parallel_loop3A_581 : vector<16xf32>
      %parallel_loop3A_583 = arith.constant 16 : i32
      %parallel_loop3A_584 = arith.muli %parallel_loop3A_501, %parallel_loop3A_583 : i32
      %parallel_loop3A_585 = arith.constant 7680 : i32
      %parallel_loop3A_586 = arith.addi %parallel_loop3A_585, %parallel_loop3A_584 : i32
      %parallel_loop3A_587 = arith.index_cast %parallel_loop3A_586 : i32 to index
      %parallel_loop3A_588 = tpu.vector_load %arg8[%parallel_loop3A_587] {strides = array<i32>} : memref<10240xf32, #tpu.memory_space<vmem>>, vector<16xf32>,
      %parallel_loop3A_589 = arith.addf %parallel_loop3A_582, %parallel_loop3A_588 : vector<16xf32>
      %parallel_loop3A_590 = arith.constant 16 : i32
      %parallel_loop3A_591 = arith.muli %parallel_loop3A_501, %parallel_loop3A_590 : i32
      %parallel_loop3A_592 = arith.constant 8320 : i32
      %parallel_loop3A_593 = arith.addi %parallel_loop3A_592, %parallel_loop3A_591 : i32
      %parallel_loop3A_594 = arith.index_cast %parallel_loop3A_593 : i32 to index
      %parallel_loop3A_595 = tpu.vector_load %arg8[%parallel_loop3A_594] {strides = array<i32>} : memref<10240xf32, #tpu.memory_space<vmem>>, vector<16xf32>,
      %parallel_loop3A_596 = arith.addf %parallel_loop3A_589, %parallel_loop3A_595 : vector<16xf32>
      %parallel_loop3A_597 = arith.constant 16 : i32
      %parallel_loop3A_598 = arith.muli %parallel_loop3A_501, %parallel_loop3A_597 : i32
      %parallel_loop3A_599 = arith.constant 8960 : i32
      %parallel_loop3A_600 = arith.addi %parallel_loop3A_599, %parallel_loop3A_598 : i32
      %parallel_loop3A_601 = arith.index_cast %parallel_loop3A_600 : i32 to index
      %parallel_loop3A_602 = tpu.vector_load %arg8[%parallel_loop3A_601] {strides = array<i32>} : memref<10240xf32, #tpu.memory_space<vmem>>, vector<16xf32>,
      %parallel_loop3A_603 = arith.addf %parallel_loop3A_596, %parallel_loop3A_602 : vector<16xf32>
      %parallel_loop3A_604 = arith.constant 16 : i32
      %parallel_loop3A_605 = arith.muli %parallel_loop3A_501, %parallel_loop3A_604 : i32
      %parallel_loop3A_606 = arith.constant 9600 : i32
      %parallel_loop3A_607 = arith.addi %parallel_loop3A_606, %parallel_loop3A_605 : i32
      %parallel_loop3A_608 = arith.index_cast %parallel_loop3A_607 : i32 to index
      %parallel_loop3A_609 = tpu.vector_load %arg8[%parallel_loop3A_608] {strides = array<i32>} : memref<10240xf32, #tpu.memory_space<vmem>>, vector<16xf32>,
      %parallel_loop3A_610 = arith.addf %parallel_loop3A_603, %parallel_loop3A_609 : vector<16xf32>
      %parallel_loop3A_611 = arith.constant 16 : i32
      %parallel_loop3A_612 = arith.muli %parallel_loop3A_501, %parallel_loop3A_611 : i32
      %parallel_loop3A_613 = arith.index_cast %parallel_loop3A_612 : i32 to index
      %parallel_loop3A_614 = tpu.vector_load %arg9[%parallel_loop3A_613] {strides = array<i32>} : memref<640xf32, #tpu.memory_space<vmem>>, vector<16xf32>,
      tpu.vector_store %arg9[%parallel_loop3A_613], %parallel_loop3A_610 {strides = array<i32>} : memref<640xf32, #tpu.memory_space<vmem>>, vector<16xf32>,
    } {sc.loop_unroll_factor = 2 : i64, sc.parallel_access}
    %eq3A = arith.constant 0 : i32
    %eq3A_245 = arith.cmpi eq, %arg0, %eq3A : i32
    %convert_element_type3A = arith.extui %eq3A_245 : i1 to i32
    %cond3A = arith.constant 0 : i32
    %cond3A_246 = arith.cmpi ne, %convert_element_type3A, %cond3A : i32
    scf.if %cond3A_246 {
      %add3A_501 = arith.constant 0 : i32
      %add3A_502 = arith.addi %add3A_501, %mul3A_3 : i32
      "tpu.region"() ({
        %run_scoped3A = tpu.sem_alloc : memref<!tpu.dma_semaphore, #tpu.memory_space<semaphore_mem>>
        %dma_start3A_503 = tpu.memref_slice %arg3[%add3A_502] : memref<20480xf32, #tpu.memory_space<hbm>> -> memref<640xf32, #tpu.memory_space<hbm>>
        %dma_start3A_504 = tpu.memref_slice %arg3[%add3A_502] : memref<20480xf32, #tpu.memory_space<hbm>> -> memref<640xf32, #tpu.memory_space<hbm>>
        tpu.enqueue_dma source(%arg9 : memref<640xf32, #tpu.memory_space<vmem>>) target(%dma_start3A_504 : memref<640xf32, #tpu.memory_space<hbm>>) target_semaphore(%run_scoped3A : memref<!tpu.dma_semaphore, #tpu.memory_space<semaphore_mem>>)
        %dma_wait3A_505 = tpu.memref_slice %arg3[%add3A_502] : memref<20480xf32, #tpu.memory_space<hbm>> -> memref<640xf32, #tpu.memory_space<hbm>>
        %dma_wait3A_506 = tpu.memref_slice %arg3[%add3A_502] : memref<20480xf32, #tpu.memory_space<hbm>> -> memref<640xf32, #tpu.memory_space<hbm>>
        tpu.wait_dma2 semaphore(%run_scoped3A : memref<!tpu.dma_semaphore, #tpu.memory_space<semaphore_mem>>) src(%arg9 : memref<640xf32, #tpu.memory_space<vmem>>) dst(%dma_wait3A_506 : memref<640xf32, #tpu.memory_space<hbm>>)
        tpu.yield
      }) : () -> ()
    } else {
    }
    "tpu.region"() ({
      %run_scoped3A = tpu.sem_alloc : memref<!tpu.dma_semaphore, #tpu.memory_space<semaphore_mem>>
      %dma_start3A_501 = tpu.memref_slice %arg11[%mul3A_3] : memref<10240xf32, #tpu.memory_space<vmem_shared>> -> memref<640xf32, #tpu.memory_space<vmem_shared>>
      %dma_start3A_502 = tpu.memref_slice %arg11[%mul3A_3] : memref<10240xf32, #tpu.memory_space<vmem_shared>> -> memref<640xf32, #tpu.memory_space<vmem_shared>>
      tpu.enqueue_dma source(%arg9 : memref<640xf32, #tpu.memory_space<vmem>>) target(%dma_start3A_502 : memref<640xf32, #tpu.memory_space<vmem_shared>>) target_semaphore(%run_scoped3A : memref<!tpu.dma_semaphore, #tpu.memory_space<semaphore_mem>>)
      %dma_wait3A_503 = tpu.memref_slice %arg11[%mul3A_3] : memref<10240xf32, #tpu.memory_space<vmem_shared>> -> memref<640xf32, #tpu.memory_space<vmem_shared>>
      %dma_wait3A_504 = tpu.memref_slice %arg11[%mul3A_3] : memref<10240xf32, #tpu.memory_space<vmem_shared>> -> memref<640xf32, #tpu.memory_space<vmem_shared>>
      tpu.wait_dma2 semaphore(%run_scoped3A : memref<!tpu.dma_semaphore, #tpu.memory_space<semaphore_mem>>) src(%arg9 : memref<640xf32, #tpu.memory_space<vmem>>) dst(%dma_wait3A_504 : memref<640xf32, #tpu.memory_space<vmem_shared>>)
      tpu.yield
    }) : () -> ()
    %barrier3A_247 = arith.constant 0 : index
    tpu.barrier barrier_id(%barrier3A_247)
    tpu.enqueue_dma source(%arg11 : memref<10240xf32, #tpu.memory_space<vmem_shared>>) target(%arg6 : memref<10240xf32, #tpu.memory_space<vmem>>) target_semaphore(%arg13 : memref<!tpu.dma_semaphore, #tpu.memory_space<semaphore_mem>>)
    %parallel_loop3A_248 = arith.constant 0 : i32
    %parallel_loop3A_249 = arith.constant 640 : i32
    %parallel_loop3A_250 = arith.constant 1 : i32
    scf.for %parallel_loop3A_501 = %parallel_loop3A_248 to %parallel_loop3A_249 step %parallel_loop3A_250  : i32 {
      %parallel_loop3A_502 = arith.constant 16 : i32
      %parallel_loop3A_503 = arith.muli %parallel_loop3A_501, %parallel_loop3A_502 : i32
      %parallel_loop3A_504 = arith.index_cast %parallel_loop3A_503 : i32 to index
      %parallel_loop3A_505 = tpu.vector_load %arg7[%parallel_loop3A_504] {strides = array<i32>} : memref<10240xf32, #tpu.memory_space<vmem>>, vector<16xf32>,
      tpu.vector_store %arg7[%parallel_loop3A_504], %broadcast_in_dim3A_1 {strides = array<i32>} : memref<10240xf32, #tpu.memory_space<vmem>>, vector<16xf32>,
    } {sc.loop_unroll_factor = 8 : i64, sc.parallel_access}
    tpu.wait_dma2 semaphore(%arg13 : memref<!tpu.dma_semaphore, #tpu.memory_space<semaphore_mem>>) src(%arg11 : memref<10240xf32, #tpu.memory_space<vmem_shared>>) dst(%arg6 : memref<10240xf32, #tpu.memory_space<vmem>>)
    %parallel_loop3A_251 = arith.constant 0 : i32
    %parallel_loop3A_252 = arith.constant 1250 : i32
    %parallel_loop3A_253 = arith.constant 1 : i32
    scf.for %parallel_loop3A_501 = %parallel_loop3A_251 to %parallel_loop3A_252 step %parallel_loop3A_253  : i32 {
      %parallel_loop3A_502 = arith.constant 16 : i32
      %parallel_loop3A_503 = arith.muli %parallel_loop3A_501, %parallel_loop3A_502 : i32
      %parallel_loop3A_504 = arith.index_cast %parallel_loop3A_503 : i32 to index
      %parallel_loop3A_505 = tpu.vector_load %arg5[%parallel_loop3A_504] {strides = array<i32>} : memref<20000xi32, #tpu.memory_space<vmem>>, vector<16xi32>,
      %parallel_loop3A_506 = arith.andi %parallel_loop3A_505, %broadcast_in_dim3A_9 : vector<16xi32>
      %parallel_loop3A_507 = arith.constant 14 : i32
      %parallel_loop3A_508 = vector.broadcast %parallel_loop3A_507 : i32 to vector<16xi32>
      %parallel_loop3A_509 = arith.shrui %parallel_loop3A_505, %parallel_loop3A_508 : vector<16xi32>
      %parallel_loop3A_510 = tpu.vector_load_idx %arg6[%parallel_loop3A_506] : memref<10240xf32, #tpu.memory_space<vmem>>[vector<16xi32>], vector<16xf32>,
      tpu.vector_store_idx %arg7[%parallel_loop3A_509], %parallel_loop3A_510 {add = true} : memref<10240xf32, #tpu.memory_space<vmem>>[vector<16xi32>], vector<16xf32>,
    } {sc.loop_unroll_factor = 4 : i64, sc.parallel_access}
    %mul3A_254 = arith.constant 10240 : i32
    %mul3A_255 = arith.muli %arg1, %mul3A_254 : i32
    "tpu.region"() ({
      %run_scoped3A = tpu.sem_alloc : memref<!tpu.dma_semaphore, #tpu.memory_space<semaphore_mem>>
      %dma_start3A_501 = tpu.memref_slice %arg10[%mul3A_255] : memref<163840xf32, #tpu.memory_space<vmem_shared>> -> memref<10240xf32, #tpu.memory_space<vmem_shared>>
      %dma_start3A_502 = tpu.memref_slice %arg10[%mul3A_255] : memref<163840xf32, #tpu.memory_space<vmem_shared>> -> memref<10240xf32, #tpu.memory_space<vmem_shared>>
      tpu.enqueue_dma source(%arg7 : memref<10240xf32, #tpu.memory_space<vmem>>) target(%dma_start3A_502 : memref<10240xf32, #tpu.memory_space<vmem_shared>>) target_semaphore(%run_scoped3A : memref<!tpu.dma_semaphore, #tpu.memory_space<semaphore_mem>>)
      %dma_wait3A_503 = tpu.memref_slice %arg10[%mul3A_255] : memref<163840xf32, #tpu.memory_space<vmem_shared>> -> memref<10240xf32, #tpu.memory_space<vmem_shared>>
      %dma_wait3A_504 = tpu.memref_slice %arg10[%mul3A_255] : memref<163840xf32, #tpu.memory_space<vmem_shared>> -> memref<10240xf32, #tpu.memory_space<vmem_shared>>
      tpu.wait_dma2 semaphore(%run_scoped3A : memref<!tpu.dma_semaphore, #tpu.memory_space<semaphore_mem>>) src(%arg7 : memref<10240xf32, #tpu.memory_space<vmem>>) dst(%dma_wait3A_504 : memref<10240xf32, #tpu.memory_space<vmem_shared>>)
      tpu.yield
    }) : () -> ()
    %barrier3A_256 = arith.constant 0 : index
    tpu.barrier barrier_id(%barrier3A_256)
    %add3A_257 = arith.constant 0 : i32
    %add3A_258 = arith.addi %add3A_257, %mul3A_3 : i32
    %dma_start3A_259 = arith.constant 0 : i32
    %dma_start3A_260 = tpu.memref_slice %arg8[%dma_start3A_259] : memref<10240xf32, #tpu.memory_space<vmem>> -> memref<640xf32, #tpu.memory_space<vmem>>
    %dma_start3A_261 = tpu.memref_slice %arg10[%add3A_258] : memref<163840xf32, #tpu.memory_space<vmem_shared>> -> memref<640xf32, #tpu.memory_space<vmem_shared>>
    %dma_start3A_262 = arith.constant 0 : i32
    %dma_start3A_263 = tpu.memref_slice %arg8[%dma_start3A_262] : memref<10240xf32, #tpu.memory_space<vmem>> -> memref<640xf32, #tpu.memory_space<vmem>>
    %dma_start3A_264 = tpu.memref_slice %arg10[%add3A_258] : memref<163840xf32, #tpu.memory_space<vmem_shared>> -> memref<640xf32, #tpu.memory_space<vmem_shared>>
    tpu.enqueue_dma source(%dma_start3A_264 : memref<640xf32, #tpu.memory_space<vmem_shared>>) target(%dma_start3A_263 : memref<640xf32, #tpu.memory_space<vmem>>) target_semaphore(%arg12 : memref<!tpu.dma_semaphore, #tpu.memory_space<semaphore_mem>>)
    %add3A_265 = arith.constant 10240 : i32
    %add3A_266 = arith.addi %add3A_265, %mul3A_3 : i32
    %dma_start3A_267 = arith.constant 640 : i32
    %dma_start3A_268 = tpu.memref_slice %arg8[%dma_start3A_267] : memref<10240xf32, #tpu.memory_space<vmem>> -> memref<640xf32, #tpu.memory_space<vmem>>
    %dma_start3A_269 = tpu.memref_slice %arg10[%add3A_266] : memref<163840xf32, #tpu.memory_space<vmem_shared>> -> memref<640xf32, #tpu.memory_space<vmem_shared>>
    %dma_start3A_270 = arith.constant 640 : i32
    %dma_start3A_271 = tpu.memref_slice %arg8[%dma_start3A_270] : memref<10240xf32, #tpu.memory_space<vmem>> -> memref<640xf32, #tpu.memory_space<vmem>>
    %dma_start3A_272 = tpu.memref_slice %arg10[%add3A_266] : memref<163840xf32, #tpu.memory_space<vmem_shared>> -> memref<640xf32, #tpu.memory_space<vmem_shared>>
    tpu.enqueue_dma source(%dma_start3A_272 : memref<640xf32, #tpu.memory_space<vmem_shared>>) target(%dma_start3A_271 : memref<640xf32, #tpu.memory_space<vmem>>) target_semaphore(%arg12 : memref<!tpu.dma_semaphore, #tpu.memory_space<semaphore_mem>>)
    %add3A_273 = arith.constant 20480 : i32
    %add3A_274 = arith.addi %add3A_273, %mul3A_3 : i32
    %dma_start3A_275 = arith.constant 1280 : i32
    %dma_start3A_276 = tpu.memref_slice %arg8[%dma_start3A_275] : memref<10240xf32, #tpu.memory_space<vmem>> -> memref<640xf32, #tpu.memory_space<vmem>>
    %dma_start3A_277 = tpu.memref_slice %arg10[%add3A_274] : memref<163840xf32, #tpu.memory_space<vmem_shared>> -> memref<640xf32, #tpu.memory_space<vmem_shared>>
    %dma_start3A_278 = arith.constant 1280 : i32
    %dma_start3A_279 = tpu.memref_slice %arg8[%dma_start3A_278] : memref<10240xf32, #tpu.memory_space<vmem>> -> memref<640xf32, #tpu.memory_space<vmem>>
    %dma_start3A_280 = tpu.memref_slice %arg10[%add3A_274] : memref<163840xf32, #tpu.memory_space<vmem_shared>> -> memref<640xf32, #tpu.memory_space<vmem_shared>>
    tpu.enqueue_dma source(%dma_start3A_280 : memref<640xf32, #tpu.memory_space<vmem_shared>>) target(%dma_start3A_279 : memref<640xf32, #tpu.memory_space<vmem>>) target_semaphore(%arg12 : memref<!tpu.dma_semaphore, #tpu.memory_space<semaphore_mem>>)
    %add3A_281 = arith.constant 30720 : i32
    %add3A_282 = arith.addi %add3A_281, %mul3A_3 : i32
    %dma_start3A_283 = arith.constant 1920 : i32
    %dma_start3A_284 = tpu.memref_slice %arg8[%dma_start3A_283] : memref<10240xf32, #tpu.memory_space<vmem>> -> memref<640xf32, #tpu.memory_space<vmem>>
    %dma_start3A_285 = tpu.memref_slice %arg10[%add3A_282] : memref<163840xf32, #tpu.memory_space<vmem_shared>> -> memref<640xf32, #tpu.memory_space<vmem_shared>>
    %dma_start3A_286 = arith.constant 1920 : i32
    %dma_start3A_287 = tpu.memref_slice %arg8[%dma_start3A_286] : memref<10240xf32, #tpu.memory_space<vmem>> -> memref<640xf32, #tpu.memory_space<vmem>>
    %dma_start3A_288 = tpu.memref_slice %arg10[%add3A_282] : memref<163840xf32, #tpu.memory_space<vmem_shared>> -> memref<640xf32, #tpu.memory_space<vmem_shared>>
    tpu.enqueue_dma source(%dma_start3A_288 : memref<640xf32, #tpu.memory_space<vmem_shared>>) target(%dma_start3A_287 : memref<640xf32, #tpu.memory_space<vmem>>) target_semaphore(%arg12 : memref<!tpu.dma_semaphore, #tpu.memory_space<semaphore_mem>>)
    %add3A_289 = arith.constant 40960 : i32
    %add3A_290 = arith.addi %add3A_289, %mul3A_3 : i32
    %dma_start3A_291 = arith.constant 2560 : i32
    %dma_start3A_292 = tpu.memref_slice %arg8[%dma_start3A_291] : memref<10240xf32, #tpu.memory_space<vmem>> -> memref<640xf32, #tpu.memory_space<vmem>>
    %dma_start3A_293 = tpu.memref_slice %arg10[%add3A_290] : memref<163840xf32, #tpu.memory_space<vmem_shared>> -> memref<640xf32, #tpu.memory_space<vmem_shared>>
    %dma_start3A_294 = arith.constant 2560 : i32
    %dma_start3A_295 = tpu.memref_slice %arg8[%dma_start3A_294] : memref<10240xf32, #tpu.memory_space<vmem>> -> memref<640xf32, #tpu.memory_space<vmem>>
    %dma_start3A_296 = tpu.memref_slice %arg10[%add3A_290] : memref<163840xf32, #tpu.memory_space<vmem_shared>> -> memref<640xf32, #tpu.memory_space<vmem_shared>>
    tpu.enqueue_dma source(%dma_start3A_296 : memref<640xf32, #tpu.memory_space<vmem_shared>>) target(%dma_start3A_295 : memref<640xf32, #tpu.memory_space<vmem>>) target_semaphore(%arg12 : memref<!tpu.dma_semaphore, #tpu.memory_space<semaphore_mem>>)
    %add3A_297 = arith.constant 51200 : i32
    %add3A_298 = arith.addi %add3A_297, %mul3A_3 : i32
    %dma_start3A_299 = arith.constant 3200 : i32
    %dma_start3A_300 = tpu.memref_slice %arg8[%dma_start3A_299] : memref<10240xf32, #tpu.memory_space<vmem>> -> memref<640xf32, #tpu.memory_space<vmem>>
    %dma_start3A_301 = tpu.memref_slice %arg10[%add3A_298] : memref<163840xf32, #tpu.memory_space<vmem_shared>> -> memref<640xf32, #tpu.memory_space<vmem_shared>>
    %dma_start3A_302 = arith.constant 3200 : i32
    %dma_start3A_303 = tpu.memref_slice %arg8[%dma_start3A_302] : memref<10240xf32, #tpu.memory_space<vmem>> -> memref<640xf32, #tpu.memory_space<vmem>>
    %dma_start3A_304 = tpu.memref_slice %arg10[%add3A_298] : memref<163840xf32, #tpu.memory_space<vmem_shared>> -> memref<640xf32, #tpu.memory_space<vmem_shared>>
    tpu.enqueue_dma source(%dma_start3A_304 : memref<640xf32, #tpu.memory_space<vmem_shared>>) target(%dma_start3A_303 : memref<640xf32, #tpu.memory_space<vmem>>) target_semaphore(%arg12 : memref<!tpu.dma_semaphore, #tpu.memory_space<semaphore_mem>>)
    %add3A_305 = arith.constant 61440 : i32
    %add3A_306 = arith.addi %add3A_305, %mul3A_3 : i32
    %dma_start3A_307 = arith.constant 3840 : i32
    %dma_start3A_308 = tpu.memref_slice %arg8[%dma_start3A_307] : memref<10240xf32, #tpu.memory_space<vmem>> -> memref<640xf32, #tpu.memory_space<vmem>>
    %dma_start3A_309 = tpu.memref_slice %arg10[%add3A_306] : memref<163840xf32, #tpu.memory_space<vmem_shared>> -> memref<640xf32, #tpu.memory_space<vmem_shared>>
    %dma_start3A_310 = arith.constant 3840 : i32
    %dma_start3A_311 = tpu.memref_slice %arg8[%dma_start3A_310] : memref<10240xf32, #tpu.memory_space<vmem>> -> memref<640xf32, #tpu.memory_space<vmem>>
    %dma_start3A_312 = tpu.memref_slice %arg10[%add3A_306] : memref<163840xf32, #tpu.memory_space<vmem_shared>> -> memref<640xf32, #tpu.memory_space<vmem_shared>>
    tpu.enqueue_dma source(%dma_start3A_312 : memref<640xf32, #tpu.memory_space<vmem_shared>>) target(%dma_start3A_311 : memref<640xf32, #tpu.memory_space<vmem>>) target_semaphore(%arg12 : memref<!tpu.dma_semaphore, #tpu.memory_space<semaphore_mem>>)
    %add3A_313 = arith.constant 71680 : i32
    %add3A_314 = arith.addi %add3A_313, %mul3A_3 : i32
    %dma_start3A_315 = arith.constant 4480 : i32
    %dma_start3A_316 = tpu.memref_slice %arg8[%dma_start3A_315] : memref<10240xf32, #tpu.memory_space<vmem>> -> memref<640xf32, #tpu.memory_space<vmem>>
    %dma_start3A_317 = tpu.memref_slice %arg10[%add3A_314] : memref<163840xf32, #tpu.memory_space<vmem_shared>> -> memref<640xf32, #tpu.memory_space<vmem_shared>>
    %dma_start3A_318 = arith.constant 4480 : i32
    %dma_start3A_319 = tpu.memref_slice %arg8[%dma_start3A_318] : memref<10240xf32, #tpu.memory_space<vmem>> -> memref<640xf32, #tpu.memory_space<vmem>>
    %dma_start3A_320 = tpu.memref_slice %arg10[%add3A_314] : memref<163840xf32, #tpu.memory_space<vmem_shared>> -> memref<640xf32, #tpu.memory_space<vmem_shared>>
    tpu.enqueue_dma source(%dma_start3A_320 : memref<640xf32, #tpu.memory_space<vmem_shared>>) target(%dma_start3A_319 : memref<640xf32, #tpu.memory_space<vmem>>) target_semaphore(%arg12 : memref<!tpu.dma_semaphore, #tpu.memory_space<semaphore_mem>>)
    %add3A_321 = arith.constant 81920 : i32
    %add3A_322 = arith.addi %add3A_321, %mul3A_3 : i32
    %dma_start3A_323 = arith.constant 5120 : i32
    %dma_start3A_324 = tpu.memref_slice %arg8[%dma_start3A_323] : memref<10240xf32, #tpu.memory_space<vmem>> -> memref<640xf32, #tpu.memory_space<vmem>>
    %dma_start3A_325 = tpu.memref_slice %arg10[%add3A_322] : memref<163840xf32, #tpu.memory_space<vmem_shared>> -> memref<640xf32, #tpu.memory_space<vmem_shared>>
    %dma_start3A_326 = arith.constant 5120 : i32
    %dma_start3A_327 = tpu.memref_slice %arg8[%dma_start3A_326] : memref<10240xf32, #tpu.memory_space<vmem>> -> memref<640xf32, #tpu.memory_space<vmem>>
    %dma_start3A_328 = tpu.memref_slice %arg10[%add3A_322] : memref<163840xf32, #tpu.memory_space<vmem_shared>> -> memref<640xf32, #tpu.memory_space<vmem_shared>>
    tpu.enqueue_dma source(%dma_start3A_328 : memref<640xf32, #tpu.memory_space<vmem_shared>>) target(%dma_start3A_327 : memref<640xf32, #tpu.memory_space<vmem>>) target_semaphore(%arg12 : memref<!tpu.dma_semaphore, #tpu.memory_space<semaphore_mem>>)
    %add3A_329 = arith.constant 92160 : i32
    %add3A_330 = arith.addi %add3A_329, %mul3A_3 : i32
    %dma_start3A_331 = arith.constant 5760 : i32
    %dma_start3A_332 = tpu.memref_slice %arg8[%dma_start3A_331] : memref<10240xf32, #tpu.memory_space<vmem>> -> memref<640xf32, #tpu.memory_space<vmem>>
    %dma_start3A_333 = tpu.memref_slice %arg10[%add3A_330] : memref<163840xf32, #tpu.memory_space<vmem_shared>> -> memref<640xf32, #tpu.memory_space<vmem_shared>>
    %dma_start3A_334 = arith.constant 5760 : i32
    %dma_start3A_335 = tpu.memref_slice %arg8[%dma_start3A_334] : memref<10240xf32, #tpu.memory_space<vmem>> -> memref<640xf32, #tpu.memory_space<vmem>>
    %dma_start3A_336 = tpu.memref_slice %arg10[%add3A_330] : memref<163840xf32, #tpu.memory_space<vmem_shared>> -> memref<640xf32, #tpu.memory_space<vmem_shared>>
    tpu.enqueue_dma source(%dma_start3A_336 : memref<640xf32, #tpu.memory_space<vmem_shared>>) target(%dma_start3A_335 : memref<640xf32, #tpu.memory_space<vmem>>) target_semaphore(%arg12 : memref<!tpu.dma_semaphore, #tpu.memory_space<semaphore_mem>>)
    %add3A_337 = arith.constant 102400 : i32
    %add3A_338 = arith.addi %add3A_337, %mul3A_3 : i32
    %dma_start3A_339 = arith.constant 6400 : i32
    %dma_start3A_340 = tpu.memref_slice %arg8[%dma_start3A_339] : memref<10240xf32, #tpu.memory_space<vmem>> -> memref<640xf32, #tpu.memory_space<vmem>>
    %dma_start3A_341 = tpu.memref_slice %arg10[%add3A_338] : memref<163840xf32, #tpu.memory_space<vmem_shared>> -> memref<640xf32, #tpu.memory_space<vmem_shared>>
    %dma_start3A_342 = arith.constant 6400 : i32
    %dma_start3A_343 = tpu.memref_slice %arg8[%dma_start3A_342] : memref<10240xf32, #tpu.memory_space<vmem>> -> memref<640xf32, #tpu.memory_space<vmem>>
    %dma_start3A_344 = tpu.memref_slice %arg10[%add3A_338] : memref<163840xf32, #tpu.memory_space<vmem_shared>> -> memref<640xf32, #tpu.memory_space<vmem_shared>>
    tpu.enqueue_dma source(%dma_start3A_344 : memref<640xf32, #tpu.memory_space<vmem_shared>>) target(%dma_start3A_343 : memref<640xf32, #tpu.memory_space<vmem>>) target_semaphore(%arg12 : memref<!tpu.dma_semaphore, #tpu.memory_space<semaphore_mem>>)
    %add3A_345 = arith.constant 112640 : i32
    %add3A_346 = arith.addi %add3A_345, %mul3A_3 : i32
    %dma_start3A_347 = arith.constant 7040 : i32
    %dma_start3A_348 = tpu.memref_slice %arg8[%dma_start3A_347] : memref<10240xf32, #tpu.memory_space<vmem>> -> memref<640xf32, #tpu.memory_space<vmem>>
    %dma_start3A_349 = tpu.memref_slice %arg10[%add3A_346] : memref<163840xf32, #tpu.memory_space<vmem_shared>> -> memref<640xf32, #tpu.memory_space<vmem_shared>>
    %dma_start3A_350 = arith.constant 7040 : i32
    %dma_start3A_351 = tpu.memref_slice %arg8[%dma_start3A_350] : memref<10240xf32, #tpu.memory_space<vmem>> -> memref<640xf32, #tpu.memory_space<vmem>>
    %dma_start3A_352 = tpu.memref_slice %arg10[%add3A_346] : memref<163840xf32, #tpu.memory_space<vmem_shared>> -> memref<640xf32, #tpu.memory_space<vmem_shared>>
    tpu.enqueue_dma source(%dma_start3A_352 : memref<640xf32, #tpu.memory_space<vmem_shared>>) target(%dma_start3A_351 : memref<640xf32, #tpu.memory_space<vmem>>) target_semaphore(%arg12 : memref<!tpu.dma_semaphore, #tpu.memory_space<semaphore_mem>>)
    %add3A_353 = arith.constant 122880 : i32
    %add3A_354 = arith.addi %add3A_353, %mul3A_3 : i32
    %dma_start3A_355 = arith.constant 7680 : i32
    %dma_start3A_356 = tpu.memref_slice %arg8[%dma_start3A_355] : memref<10240xf32, #tpu.memory_space<vmem>> -> memref<640xf32, #tpu.memory_space<vmem>>
    %dma_start3A_357 = tpu.memref_slice %arg10[%add3A_354] : memref<163840xf32, #tpu.memory_space<vmem_shared>> -> memref<640xf32, #tpu.memory_space<vmem_shared>>
    %dma_start3A_358 = arith.constant 7680 : i32
    %dma_start3A_359 = tpu.memref_slice %arg8[%dma_start3A_358] : memref<10240xf32, #tpu.memory_space<vmem>> -> memref<640xf32, #tpu.memory_space<vmem>>
    %dma_start3A_360 = tpu.memref_slice %arg10[%add3A_354] : memref<163840xf32, #tpu.memory_space<vmem_shared>> -> memref<640xf32, #tpu.memory_space<vmem_shared>>
    tpu.enqueue_dma source(%dma_start3A_360 : memref<640xf32, #tpu.memory_space<vmem_shared>>) target(%dma_start3A_359 : memref<640xf32, #tpu.memory_space<vmem>>) target_semaphore(%arg12 : memref<!tpu.dma_semaphore, #tpu.memory_space<semaphore_mem>>)
    %add3A_361 = arith.constant 133120 : i32
    %add3A_362 = arith.addi %add3A_361, %mul3A_3 : i32
    %dma_start3A_363 = arith.constant 8320 : i32
    %dma_start3A_364 = tpu.memref_slice %arg8[%dma_start3A_363] : memref<10240xf32, #tpu.memory_space<vmem>> -> memref<640xf32, #tpu.memory_space<vmem>>
    %dma_start3A_365 = tpu.memref_slice %arg10[%add3A_362] : memref<163840xf32, #tpu.memory_space<vmem_shared>> -> memref<640xf32, #tpu.memory_space<vmem_shared>>
    %dma_start3A_366 = arith.constant 8320 : i32
    %dma_start3A_367 = tpu.memref_slice %arg8[%dma_start3A_366] : memref<10240xf32, #tpu.memory_space<vmem>> -> memref<640xf32, #tpu.memory_space<vmem>>
    %dma_start3A_368 = tpu.memref_slice %arg10[%add3A_362] : memref<163840xf32, #tpu.memory_space<vmem_shared>> -> memref<640xf32, #tpu.memory_space<vmem_shared>>
    tpu.enqueue_dma source(%dma_start3A_368 : memref<640xf32, #tpu.memory_space<vmem_shared>>) target(%dma_start3A_367 : memref<640xf32, #tpu.memory_space<vmem>>) target_semaphore(%arg12 : memref<!tpu.dma_semaphore, #tpu.memory_space<semaphore_mem>>)
    %add3A_369 = arith.constant 143360 : i32
    %add3A_370 = arith.addi %add3A_369, %mul3A_3 : i32
    %dma_start3A_371 = arith.constant 8960 : i32
    %dma_start3A_372 = tpu.memref_slice %arg8[%dma_start3A_371] : memref<10240xf32, #tpu.memory_space<vmem>> -> memref<640xf32, #tpu.memory_space<vmem>>
    %dma_start3A_373 = tpu.memref_slice %arg10[%add3A_370] : memref<163840xf32, #tpu.memory_space<vmem_shared>> -> memref<640xf32, #tpu.memory_space<vmem_shared>>
    %dma_start3A_374 = arith.constant 8960 : i32
    %dma_start3A_375 = tpu.memref_slice %arg8[%dma_start3A_374] : memref<10240xf32, #tpu.memory_space<vmem>> -> memref<640xf32, #tpu.memory_space<vmem>>
    %dma_start3A_376 = tpu.memref_slice %arg10[%add3A_370] : memref<163840xf32, #tpu.memory_space<vmem_shared>> -> memref<640xf32, #tpu.memory_space<vmem_shared>>
    tpu.enqueue_dma source(%dma_start3A_376 : memref<640xf32, #tpu.memory_space<vmem_shared>>) target(%dma_start3A_375 : memref<640xf32, #tpu.memory_space<vmem>>) target_semaphore(%arg12 : memref<!tpu.dma_semaphore, #tpu.memory_space<semaphore_mem>>)
    %add3A_377 = arith.constant 153600 : i32
    %add3A_378 = arith.addi %add3A_377, %mul3A_3 : i32
    %dma_start3A_379 = arith.constant 9600 : i32
    %dma_start3A_380 = tpu.memref_slice %arg8[%dma_start3A_379] : memref<10240xf32, #tpu.memory_space<vmem>> -> memref<640xf32, #tpu.memory_space<vmem>>
    %dma_start3A_381 = tpu.memref_slice %arg10[%add3A_378] : memref<163840xf32, #tpu.memory_space<vmem_shared>> -> memref<640xf32, #tpu.memory_space<vmem_shared>>
    %dma_start3A_382 = arith.constant 9600 : i32
    %dma_start3A_383 = tpu.memref_slice %arg8[%dma_start3A_382] : memref<10240xf32, #tpu.memory_space<vmem>> -> memref<640xf32, #tpu.memory_space<vmem>>
    %dma_start3A_384 = tpu.memref_slice %arg10[%add3A_378] : memref<163840xf32, #tpu.memory_space<vmem_shared>> -> memref<640xf32, #tpu.memory_space<vmem_shared>>
    tpu.enqueue_dma source(%dma_start3A_384 : memref<640xf32, #tpu.memory_space<vmem_shared>>) target(%dma_start3A_383 : memref<640xf32, #tpu.memory_space<vmem>>) target_semaphore(%arg12 : memref<!tpu.dma_semaphore, #tpu.memory_space<semaphore_mem>>)
    %dma_wait3A_385 = arith.constant 0 : i32
    %dma_wait3A_386 = tpu.memref_slice %arg8[%dma_wait3A_385] : memref<10240xf32, #tpu.memory_space<vmem>> -> memref<640xf32, #tpu.memory_space<vmem>>
    %dma_wait3A_387 = tpu.memref_slice %arg10[%add3A_258] : memref<163840xf32, #tpu.memory_space<vmem_shared>> -> memref<640xf32, #tpu.memory_space<vmem_shared>>
    %dma_wait3A_388 = arith.constant 0 : i32
    %dma_wait3A_389 = tpu.memref_slice %arg8[%dma_wait3A_388] : memref<10240xf32, #tpu.memory_space<vmem>> -> memref<640xf32, #tpu.memory_space<vmem>>
    %dma_wait3A_390 = tpu.memref_slice %arg10[%add3A_258] : memref<163840xf32, #tpu.memory_space<vmem_shared>> -> memref<640xf32, #tpu.memory_space<vmem_shared>>
    tpu.wait_dma2 semaphore(%arg12 : memref<!tpu.dma_semaphore, #tpu.memory_space<semaphore_mem>>) src(%dma_wait3A_390 : memref<640xf32, #tpu.memory_space<vmem_shared>>) dst(%dma_wait3A_389 : memref<640xf32, #tpu.memory_space<vmem>>)
    %dma_wait3A_391 = arith.constant 640 : i32
    %dma_wait3A_392 = tpu.memref_slice %arg8[%dma_wait3A_391] : memref<10240xf32, #tpu.memory_space<vmem>> -> memref<640xf32, #tpu.memory_space<vmem>>
    %dma_wait3A_393 = tpu.memref_slice %arg10[%add3A_266] : memref<163840xf32, #tpu.memory_space<vmem_shared>> -> memref<640xf32, #tpu.memory_space<vmem_shared>>
    %dma_wait3A_394 = arith.constant 640 : i32
    %dma_wait3A_395 = tpu.memref_slice %arg8[%dma_wait3A_394] : memref<10240xf32, #tpu.memory_space<vmem>> -> memref<640xf32, #tpu.memory_space<vmem>>
    %dma_wait3A_396 = tpu.memref_slice %arg10[%add3A_266] : memref<163840xf32, #tpu.memory_space<vmem_shared>> -> memref<640xf32, #tpu.memory_space<vmem_shared>>
    tpu.wait_dma2 semaphore(%arg12 : memref<!tpu.dma_semaphore, #tpu.memory_space<semaphore_mem>>) src(%dma_wait3A_396 : memref<640xf32, #tpu.memory_space<vmem_shared>>) dst(%dma_wait3A_395 : memref<640xf32, #tpu.memory_space<vmem>>)
    %dma_wait3A_397 = arith.constant 1280 : i32
    %dma_wait3A_398 = tpu.memref_slice %arg8[%dma_wait3A_397] : memref<10240xf32, #tpu.memory_space<vmem>> -> memref<640xf32, #tpu.memory_space<vmem>>
    %dma_wait3A_399 = tpu.memref_slice %arg10[%add3A_274] : memref<163840xf32, #tpu.memory_space<vmem_shared>> -> memref<640xf32, #tpu.memory_space<vmem_shared>>
    %dma_wait3A_400 = arith.constant 1280 : i32
    %dma_wait3A_401 = tpu.memref_slice %arg8[%dma_wait3A_400] : memref<10240xf32, #tpu.memory_space<vmem>> -> memref<640xf32, #tpu.memory_space<vmem>>
    %dma_wait3A_402 = tpu.memref_slice %arg10[%add3A_274] : memref<163840xf32, #tpu.memory_space<vmem_shared>> -> memref<640xf32, #tpu.memory_space<vmem_shared>>
    tpu.wait_dma2 semaphore(%arg12 : memref<!tpu.dma_semaphore, #tpu.memory_space<semaphore_mem>>) src(%dma_wait3A_402 : memref<640xf32, #tpu.memory_space<vmem_shared>>) dst(%dma_wait3A_401 : memref<640xf32, #tpu.memory_space<vmem>>)
    %dma_wait3A_403 = arith.constant 1920 : i32
    %dma_wait3A_404 = tpu.memref_slice %arg8[%dma_wait3A_403] : memref<10240xf32, #tpu.memory_space<vmem>> -> memref<640xf32, #tpu.memory_space<vmem>>
    %dma_wait3A_405 = tpu.memref_slice %arg10[%add3A_282] : memref<163840xf32, #tpu.memory_space<vmem_shared>> -> memref<640xf32, #tpu.memory_space<vmem_shared>>
    %dma_wait3A_406 = arith.constant 1920 : i32
    %dma_wait3A_407 = tpu.memref_slice %arg8[%dma_wait3A_406] : memref<10240xf32, #tpu.memory_space<vmem>> -> memref<640xf32, #tpu.memory_space<vmem>>
    %dma_wait3A_408 = tpu.memref_slice %arg10[%add3A_282] : memref<163840xf32, #tpu.memory_space<vmem_shared>> -> memref<640xf32, #tpu.memory_space<vmem_shared>>
    tpu.wait_dma2 semaphore(%arg12 : memref<!tpu.dma_semaphore, #tpu.memory_space<semaphore_mem>>) src(%dma_wait3A_408 : memref<640xf32, #tpu.memory_space<vmem_shared>>) dst(%dma_wait3A_407 : memref<640xf32, #tpu.memory_space<vmem>>)
    %dma_wait3A_409 = arith.constant 2560 : i32
    %dma_wait3A_410 = tpu.memref_slice %arg8[%dma_wait3A_409] : memref<10240xf32, #tpu.memory_space<vmem>> -> memref<640xf32, #tpu.memory_space<vmem>>
    %dma_wait3A_411 = tpu.memref_slice %arg10[%add3A_290] : memref<163840xf32, #tpu.memory_space<vmem_shared>> -> memref<640xf32, #tpu.memory_space<vmem_shared>>
    %dma_wait3A_412 = arith.constant 2560 : i32
    %dma_wait3A_413 = tpu.memref_slice %arg8[%dma_wait3A_412] : memref<10240xf32, #tpu.memory_space<vmem>> -> memref<640xf32, #tpu.memory_space<vmem>>
    %dma_wait3A_414 = tpu.memref_slice %arg10[%add3A_290] : memref<163840xf32, #tpu.memory_space<vmem_shared>> -> memref<640xf32, #tpu.memory_space<vmem_shared>>
    tpu.wait_dma2 semaphore(%arg12 : memref<!tpu.dma_semaphore, #tpu.memory_space<semaphore_mem>>) src(%dma_wait3A_414 : memref<640xf32, #tpu.memory_space<vmem_shared>>) dst(%dma_wait3A_413 : memref<640xf32, #tpu.memory_space<vmem>>)
    %dma_wait3A_415 = arith.constant 3200 : i32
    %dma_wait3A_416 = tpu.memref_slice %arg8[%dma_wait3A_415] : memref<10240xf32, #tpu.memory_space<vmem>> -> memref<640xf32, #tpu.memory_space<vmem>>
    %dma_wait3A_417 = tpu.memref_slice %arg10[%add3A_298] : memref<163840xf32, #tpu.memory_space<vmem_shared>> -> memref<640xf32, #tpu.memory_space<vmem_shared>>
    %dma_wait3A_418 = arith.constant 3200 : i32
    %dma_wait3A_419 = tpu.memref_slice %arg8[%dma_wait3A_418] : memref<10240xf32, #tpu.memory_space<vmem>> -> memref<640xf32, #tpu.memory_space<vmem>>
    %dma_wait3A_420 = tpu.memref_slice %arg10[%add3A_298] : memref<163840xf32, #tpu.memory_space<vmem_shared>> -> memref<640xf32, #tpu.memory_space<vmem_shared>>
    tpu.wait_dma2 semaphore(%arg12 : memref<!tpu.dma_semaphore, #tpu.memory_space<semaphore_mem>>) src(%dma_wait3A_420 : memref<640xf32, #tpu.memory_space<vmem_shared>>) dst(%dma_wait3A_419 : memref<640xf32, #tpu.memory_space<vmem>>)
    %dma_wait3A_421 = arith.constant 3840 : i32
    %dma_wait3A_422 = tpu.memref_slice %arg8[%dma_wait3A_421] : memref<10240xf32, #tpu.memory_space<vmem>> -> memref<640xf32, #tpu.memory_space<vmem>>
    %dma_wait3A_423 = tpu.memref_slice %arg10[%add3A_306] : memref<163840xf32, #tpu.memory_space<vmem_shared>> -> memref<640xf32, #tpu.memory_space<vmem_shared>>
    %dma_wait3A_424 = arith.constant 3840 : i32
    %dma_wait3A_425 = tpu.memref_slice %arg8[%dma_wait3A_424] : memref<10240xf32, #tpu.memory_space<vmem>> -> memref<640xf32, #tpu.memory_space<vmem>>
    %dma_wait3A_426 = tpu.memref_slice %arg10[%add3A_306] : memref<163840xf32, #tpu.memory_space<vmem_shared>> -> memref<640xf32, #tpu.memory_space<vmem_shared>>
    tpu.wait_dma2 semaphore(%arg12 : memref<!tpu.dma_semaphore, #tpu.memory_space<semaphore_mem>>) src(%dma_wait3A_426 : memref<640xf32, #tpu.memory_space<vmem_shared>>) dst(%dma_wait3A_425 : memref<640xf32, #tpu.memory_space<vmem>>)
    %dma_wait3A_427 = arith.constant 4480 : i32
    %dma_wait3A_428 = tpu.memref_slice %arg8[%dma_wait3A_427] : memref<10240xf32, #tpu.memory_space<vmem>> -> memref<640xf32, #tpu.memory_space<vmem>>
    %dma_wait3A_429 = tpu.memref_slice %arg10[%add3A_314] : memref<163840xf32, #tpu.memory_space<vmem_shared>> -> memref<640xf32, #tpu.memory_space<vmem_shared>>
    %dma_wait3A_430 = arith.constant 4480 : i32
    %dma_wait3A_431 = tpu.memref_slice %arg8[%dma_wait3A_430] : memref<10240xf32, #tpu.memory_space<vmem>> -> memref<640xf32, #tpu.memory_space<vmem>>
    %dma_wait3A_432 = tpu.memref_slice %arg10[%add3A_314] : memref<163840xf32, #tpu.memory_space<vmem_shared>> -> memref<640xf32, #tpu.memory_space<vmem_shared>>
    tpu.wait_dma2 semaphore(%arg12 : memref<!tpu.dma_semaphore, #tpu.memory_space<semaphore_mem>>) src(%dma_wait3A_432 : memref<640xf32, #tpu.memory_space<vmem_shared>>) dst(%dma_wait3A_431 : memref<640xf32, #tpu.memory_space<vmem>>)
    %dma_wait3A_433 = arith.constant 5120 : i32
    %dma_wait3A_434 = tpu.memref_slice %arg8[%dma_wait3A_433] : memref<10240xf32, #tpu.memory_space<vmem>> -> memref<640xf32, #tpu.memory_space<vmem>>
    %dma_wait3A_435 = tpu.memref_slice %arg10[%add3A_322] : memref<163840xf32, #tpu.memory_space<vmem_shared>> -> memref<640xf32, #tpu.memory_space<vmem_shared>>
    %dma_wait3A_436 = arith.constant 5120 : i32
    %dma_wait3A_437 = tpu.memref_slice %arg8[%dma_wait3A_436] : memref<10240xf32, #tpu.memory_space<vmem>> -> memref<640xf32, #tpu.memory_space<vmem>>
    %dma_wait3A_438 = tpu.memref_slice %arg10[%add3A_322] : memref<163840xf32, #tpu.memory_space<vmem_shared>> -> memref<640xf32, #tpu.memory_space<vmem_shared>>
    tpu.wait_dma2 semaphore(%arg12 : memref<!tpu.dma_semaphore, #tpu.memory_space<semaphore_mem>>) src(%dma_wait3A_438 : memref<640xf32, #tpu.memory_space<vmem_shared>>) dst(%dma_wait3A_437 : memref<640xf32, #tpu.memory_space<vmem>>)
    %dma_wait3A_439 = arith.constant 5760 : i32
    %dma_wait3A_440 = tpu.memref_slice %arg8[%dma_wait3A_439] : memref<10240xf32, #tpu.memory_space<vmem>> -> memref<640xf32, #tpu.memory_space<vmem>>
    %dma_wait3A_441 = tpu.memref_slice %arg10[%add3A_330] : memref<163840xf32, #tpu.memory_space<vmem_shared>> -> memref<640xf32, #tpu.memory_space<vmem_shared>>
    %dma_wait3A_442 = arith.constant 5760 : i32
    %dma_wait3A_443 = tpu.memref_slice %arg8[%dma_wait3A_442] : memref<10240xf32, #tpu.memory_space<vmem>> -> memref<640xf32, #tpu.memory_space<vmem>>
    %dma_wait3A_444 = tpu.memref_slice %arg10[%add3A_330] : memref<163840xf32, #tpu.memory_space<vmem_shared>> -> memref<640xf32, #tpu.memory_space<vmem_shared>>
    tpu.wait_dma2 semaphore(%arg12 : memref<!tpu.dma_semaphore, #tpu.memory_space<semaphore_mem>>) src(%dma_wait3A_444 : memref<640xf32, #tpu.memory_space<vmem_shared>>) dst(%dma_wait3A_443 : memref<640xf32, #tpu.memory_space<vmem>>)
    %dma_wait3A_445 = arith.constant 6400 : i32
    %dma_wait3A_446 = tpu.memref_slice %arg8[%dma_wait3A_445] : memref<10240xf32, #tpu.memory_space<vmem>> -> memref<640xf32, #tpu.memory_space<vmem>>
    %dma_wait3A_447 = tpu.memref_slice %arg10[%add3A_338] : memref<163840xf32, #tpu.memory_space<vmem_shared>> -> memref<640xf32, #tpu.memory_space<vmem_shared>>
    %dma_wait3A_448 = arith.constant 6400 : i32
    %dma_wait3A_449 = tpu.memref_slice %arg8[%dma_wait3A_448] : memref<10240xf32, #tpu.memory_space<vmem>> -> memref<640xf32, #tpu.memory_space<vmem>>
    %dma_wait3A_450 = tpu.memref_slice %arg10[%add3A_338] : memref<163840xf32, #tpu.memory_space<vmem_shared>> -> memref<640xf32, #tpu.memory_space<vmem_shared>>
    tpu.wait_dma2 semaphore(%arg12 : memref<!tpu.dma_semaphore, #tpu.memory_space<semaphore_mem>>) src(%dma_wait3A_450 : memref<640xf32, #tpu.memory_space<vmem_shared>>) dst(%dma_wait3A_449 : memref<640xf32, #tpu.memory_space<vmem>>)
    %dma_wait3A_451 = arith.constant 7040 : i32
    %dma_wait3A_452 = tpu.memref_slice %arg8[%dma_wait3A_451] : memref<10240xf32, #tpu.memory_space<vmem>> -> memref<640xf32, #tpu.memory_space<vmem>>
    %dma_wait3A_453 = tpu.memref_slice %arg10[%add3A_346] : memref<163840xf32, #tpu.memory_space<vmem_shared>> -> memref<640xf32, #tpu.memory_space<vmem_shared>>
    %dma_wait3A_454 = arith.constant 7040 : i32
    %dma_wait3A_455 = tpu.memref_slice %arg8[%dma_wait3A_454] : memref<10240xf32, #tpu.memory_space<vmem>> -> memref<640xf32, #tpu.memory_space<vmem>>
    %dma_wait3A_456 = tpu.memref_slice %arg10[%add3A_346] : memref<163840xf32, #tpu.memory_space<vmem_shared>> -> memref<640xf32, #tpu.memory_space<vmem_shared>>
    tpu.wait_dma2 semaphore(%arg12 : memref<!tpu.dma_semaphore, #tpu.memory_space<semaphore_mem>>) src(%dma_wait3A_456 : memref<640xf32, #tpu.memory_space<vmem_shared>>) dst(%dma_wait3A_455 : memref<640xf32, #tpu.memory_space<vmem>>)
    %dma_wait3A_457 = arith.constant 7680 : i32
    %dma_wait3A_458 = tpu.memref_slice %arg8[%dma_wait3A_457] : memref<10240xf32, #tpu.memory_space<vmem>> -> memref<640xf32, #tpu.memory_space<vmem>>
    %dma_wait3A_459 = tpu.memref_slice %arg10[%add3A_354] : memref<163840xf32, #tpu.memory_space<vmem_shared>> -> memref<640xf32, #tpu.memory_space<vmem_shared>>
    %dma_wait3A_460 = arith.constant 7680 : i32
    %dma_wait3A_461 = tpu.memref_slice %arg8[%dma_wait3A_460] : memref<10240xf32, #tpu.memory_space<vmem>> -> memref<640xf32, #tpu.memory_space<vmem>>
    %dma_wait3A_462 = tpu.memref_slice %arg10[%add3A_354] : memref<163840xf32, #tpu.memory_space<vmem_shared>> -> memref<640xf32, #tpu.memory_space<vmem_shared>>
    tpu.wait_dma2 semaphore(%arg12 : memref<!tpu.dma_semaphore, #tpu.memory_space<semaphore_mem>>) src(%dma_wait3A_462 : memref<640xf32, #tpu.memory_space<vmem_shared>>) dst(%dma_wait3A_461 : memref<640xf32, #tpu.memory_space<vmem>>)
    %dma_wait3A_463 = arith.constant 8320 : i32
    %dma_wait3A_464 = tpu.memref_slice %arg8[%dma_wait3A_463] : memref<10240xf32, #tpu.memory_space<vmem>> -> memref<640xf32, #tpu.memory_space<vmem>>
    %dma_wait3A_465 = tpu.memref_slice %arg10[%add3A_362] : memref<163840xf32, #tpu.memory_space<vmem_shared>> -> memref<640xf32, #tpu.memory_space<vmem_shared>>
    %dma_wait3A_466 = arith.constant 8320 : i32
    %dma_wait3A_467 = tpu.memref_slice %arg8[%dma_wait3A_466] : memref<10240xf32, #tpu.memory_space<vmem>> -> memref<640xf32, #tpu.memory_space<vmem>>
    %dma_wait3A_468 = tpu.memref_slice %arg10[%add3A_362] : memref<163840xf32, #tpu.memory_space<vmem_shared>> -> memref<640xf32, #tpu.memory_space<vmem_shared>>
    tpu.wait_dma2 semaphore(%arg12 : memref<!tpu.dma_semaphore, #tpu.memory_space<semaphore_mem>>) src(%dma_wait3A_468 : memref<640xf32, #tpu.memory_space<vmem_shared>>) dst(%dma_wait3A_467 : memref<640xf32, #tpu.memory_space<vmem>>)
    %dma_wait3A_469 = arith.constant 8960 : i32
    %dma_wait3A_470 = tpu.memref_slice %arg8[%dma_wait3A_469] : memref<10240xf32, #tpu.memory_space<vmem>> -> memref<640xf32, #tpu.memory_space<vmem>>
    %dma_wait3A_471 = tpu.memref_slice %arg10[%add3A_370] : memref<163840xf32, #tpu.memory_space<vmem_shared>> -> memref<640xf32, #tpu.memory_space<vmem_shared>>
    %dma_wait3A_472 = arith.constant 8960 : i32
    %dma_wait3A_473 = tpu.memref_slice %arg8[%dma_wait3A_472] : memref<10240xf32, #tpu.memory_space<vmem>> -> memref<640xf32, #tpu.memory_space<vmem>>
    %dma_wait3A_474 = tpu.memref_slice %arg10[%add3A_370] : memref<163840xf32, #tpu.memory_space<vmem_shared>> -> memref<640xf32, #tpu.memory_space<vmem_shared>>
    tpu.wait_dma2 semaphore(%arg12 : memref<!tpu.dma_semaphore, #tpu.memory_space<semaphore_mem>>) src(%dma_wait3A_474 : memref<640xf32, #tpu.memory_space<vmem_shared>>) dst(%dma_wait3A_473 : memref<640xf32, #tpu.memory_space<vmem>>)
    %dma_wait3A_475 = arith.constant 9600 : i32
    %dma_wait3A_476 = tpu.memref_slice %arg8[%dma_wait3A_475] : memref<10240xf32, #tpu.memory_space<vmem>> -> memref<640xf32, #tpu.memory_space<vmem>>
    %dma_wait3A_477 = tpu.memref_slice %arg10[%add3A_378] : memref<163840xf32, #tpu.memory_space<vmem_shared>> -> memref<640xf32, #tpu.memory_space<vmem_shared>>
    %dma_wait3A_478 = arith.constant 9600 : i32
    %dma_wait3A_479 = tpu.memref_slice %arg8[%dma_wait3A_478] : memref<10240xf32, #tpu.memory_space<vmem>> -> memref<640xf32, #tpu.memory_space<vmem>>
    %dma_wait3A_480 = tpu.memref_slice %arg10[%add3A_378] : memref<163840xf32, #tpu.memory_space<vmem_shared>> -> memref<640xf32, #tpu.memory_space<vmem_shared>>
    tpu.wait_dma2 semaphore(%arg12 : memref<!tpu.dma_semaphore, #tpu.memory_space<semaphore_mem>>) src(%dma_wait3A_480 : memref<640xf32, #tpu.memory_space<vmem_shared>>) dst(%dma_wait3A_479 : memref<640xf32, #tpu.memory_space<vmem>>)
    %parallel_loop3A_481 = arith.constant 0 : i32
    %parallel_loop3A_482 = arith.constant 40 : i32
    %parallel_loop3A_483 = arith.constant 1 : i32
    scf.for %parallel_loop3A_501 = %parallel_loop3A_481 to %parallel_loop3A_482 step %parallel_loop3A_483  : i32 {
      %parallel_loop3A_502 = arith.constant 16 : i32
      %parallel_loop3A_503 = arith.muli %parallel_loop3A_501, %parallel_loop3A_502 : i32
      %parallel_loop3A_504 = arith.index_cast %parallel_loop3A_503 : i32 to index
      %parallel_loop3A_505 = tpu.vector_load %arg8[%parallel_loop3A_504] {strides = array<i32>} : memref<10240xf32, #tpu.memory_space<vmem>>, vector<16xf32>,
      %parallel_loop3A_506 = arith.constant 16 : i32
      %parallel_loop3A_507 = arith.muli %parallel_loop3A_501, %parallel_loop3A_506 : i32
      %parallel_loop3A_508 = arith.constant 640 : i32
      %parallel_loop3A_509 = arith.addi %parallel_loop3A_508, %parallel_loop3A_507 : i32
      %parallel_loop3A_510 = arith.index_cast %parallel_loop3A_509 : i32 to index
      %parallel_loop3A_511 = tpu.vector_load %arg8[%parallel_loop3A_510] {strides = array<i32>} : memref<10240xf32, #tpu.memory_space<vmem>>, vector<16xf32>,
      %parallel_loop3A_512 = arith.addf %parallel_loop3A_505, %parallel_loop3A_511 : vector<16xf32>
      %parallel_loop3A_513 = arith.constant 16 : i32
      %parallel_loop3A_514 = arith.muli %parallel_loop3A_501, %parallel_loop3A_513 : i32
      %parallel_loop3A_515 = arith.constant 1280 : i32
      %parallel_loop3A_516 = arith.addi %parallel_loop3A_515, %parallel_loop3A_514 : i32
      %parallel_loop3A_517 = arith.index_cast %parallel_loop3A_516 : i32 to index
      %parallel_loop3A_518 = tpu.vector_load %arg8[%parallel_loop3A_517] {strides = array<i32>} : memref<10240xf32, #tpu.memory_space<vmem>>, vector<16xf32>,
      %parallel_loop3A_519 = arith.addf %parallel_loop3A_512, %parallel_loop3A_518 : vector<16xf32>
      %parallel_loop3A_520 = arith.constant 16 : i32
      %parallel_loop3A_521 = arith.muli %parallel_loop3A_501, %parallel_loop3A_520 : i32
      %parallel_loop3A_522 = arith.constant 1920 : i32
      %parallel_loop3A_523 = arith.addi %parallel_loop3A_522, %parallel_loop3A_521 : i32
      %parallel_loop3A_524 = arith.index_cast %parallel_loop3A_523 : i32 to index
      %parallel_loop3A_525 = tpu.vector_load %arg8[%parallel_loop3A_524] {strides = array<i32>} : memref<10240xf32, #tpu.memory_space<vmem>>, vector<16xf32>,
      %parallel_loop3A_526 = arith.addf %parallel_loop3A_519, %parallel_loop3A_525 : vector<16xf32>
      %parallel_loop3A_527 = arith.constant 16 : i32
      %parallel_loop3A_528 = arith.muli %parallel_loop3A_501, %parallel_loop3A_527 : i32
      %parallel_loop3A_529 = arith.constant 2560 : i32
      %parallel_loop3A_530 = arith.addi %parallel_loop3A_529, %parallel_loop3A_528 : i32
      %parallel_loop3A_531 = arith.index_cast %parallel_loop3A_530 : i32 to index
      %parallel_loop3A_532 = tpu.vector_load %arg8[%parallel_loop3A_531] {strides = array<i32>} : memref<10240xf32, #tpu.memory_space<vmem>>, vector<16xf32>,
      %parallel_loop3A_533 = arith.addf %parallel_loop3A_526, %parallel_loop3A_532 : vector<16xf32>
      %parallel_loop3A_534 = arith.constant 16 : i32
      %parallel_loop3A_535 = arith.muli %parallel_loop3A_501, %parallel_loop3A_534 : i32
      %parallel_loop3A_536 = arith.constant 3200 : i32
      %parallel_loop3A_537 = arith.addi %parallel_loop3A_536, %parallel_loop3A_535 : i32
      %parallel_loop3A_538 = arith.index_cast %parallel_loop3A_537 : i32 to index
      %parallel_loop3A_539 = tpu.vector_load %arg8[%parallel_loop3A_538] {strides = array<i32>} : memref<10240xf32, #tpu.memory_space<vmem>>, vector<16xf32>,
      %parallel_loop3A_540 = arith.addf %parallel_loop3A_533, %parallel_loop3A_539 : vector<16xf32>
      %parallel_loop3A_541 = arith.constant 16 : i32
      %parallel_loop3A_542 = arith.muli %parallel_loop3A_501, %parallel_loop3A_541 : i32
      %parallel_loop3A_543 = arith.constant 3840 : i32
      %parallel_loop3A_544 = arith.addi %parallel_loop3A_543, %parallel_loop3A_542 : i32
      %parallel_loop3A_545 = arith.index_cast %parallel_loop3A_544 : i32 to index
      %parallel_loop3A_546 = tpu.vector_load %arg8[%parallel_loop3A_545] {strides = array<i32>} : memref<10240xf32, #tpu.memory_space<vmem>>, vector<16xf32>,
      %parallel_loop3A_547 = arith.addf %parallel_loop3A_540, %parallel_loop3A_546 : vector<16xf32>
      %parallel_loop3A_548 = arith.constant 16 : i32
      %parallel_loop3A_549 = arith.muli %parallel_loop3A_501, %parallel_loop3A_548 : i32
      %parallel_loop3A_550 = arith.constant 4480 : i32
      %parallel_loop3A_551 = arith.addi %parallel_loop3A_550, %parallel_loop3A_549 : i32
      %parallel_loop3A_552 = arith.index_cast %parallel_loop3A_551 : i32 to index
      %parallel_loop3A_553 = tpu.vector_load %arg8[%parallel_loop3A_552] {strides = array<i32>} : memref<10240xf32, #tpu.memory_space<vmem>>, vector<16xf32>,
      %parallel_loop3A_554 = arith.addf %parallel_loop3A_547, %parallel_loop3A_553 : vector<16xf32>
      %parallel_loop3A_555 = arith.constant 16 : i32
      %parallel_loop3A_556 = arith.muli %parallel_loop3A_501, %parallel_loop3A_555 : i32
      %parallel_loop3A_557 = arith.constant 5120 : i32
      %parallel_loop3A_558 = arith.addi %parallel_loop3A_557, %parallel_loop3A_556 : i32
      %parallel_loop3A_559 = arith.index_cast %parallel_loop3A_558 : i32 to index
      %parallel_loop3A_560 = tpu.vector_load %arg8[%parallel_loop3A_559] {strides = array<i32>} : memref<10240xf32, #tpu.memory_space<vmem>>, vector<16xf32>,
      %parallel_loop3A_561 = arith.addf %parallel_loop3A_554, %parallel_loop3A_560 : vector<16xf32>
      %parallel_loop3A_562 = arith.constant 16 : i32
      %parallel_loop3A_563 = arith.muli %parallel_loop3A_501, %parallel_loop3A_562 : i32
      %parallel_loop3A_564 = arith.constant 5760 : i32
      %parallel_loop3A_565 = arith.addi %parallel_loop3A_564, %parallel_loop3A_563 : i32
      %parallel_loop3A_566 = arith.index_cast %parallel_loop3A_565 : i32 to index
      %parallel_loop3A_567 = tpu.vector_load %arg8[%parallel_loop3A_566] {strides = array<i32>} : memref<10240xf32, #tpu.memory_space<vmem>>, vector<16xf32>,
      %parallel_loop3A_568 = arith.addf %parallel_loop3A_561, %parallel_loop3A_567 : vector<16xf32>
      %parallel_loop3A_569 = arith.constant 16 : i32
      %parallel_loop3A_570 = arith.muli %parallel_loop3A_501, %parallel_loop3A_569 : i32
      %parallel_loop3A_571 = arith.constant 6400 : i32
      %parallel_loop3A_572 = arith.addi %parallel_loop3A_571, %parallel_loop3A_570 : i32
      %parallel_loop3A_573 = arith.index_cast %parallel_loop3A_572 : i32 to index
      %parallel_loop3A_574 = tpu.vector_load %arg8[%parallel_loop3A_573] {strides = array<i32>} : memref<10240xf32, #tpu.memory_space<vmem>>, vector<16xf32>,
      %parallel_loop3A_575 = arith.addf %parallel_loop3A_568, %parallel_loop3A_574 : vector<16xf32>
      %parallel_loop3A_576 = arith.constant 16 : i32
      %parallel_loop3A_577 = arith.muli %parallel_loop3A_501, %parallel_loop3A_576 : i32
      %parallel_loop3A_578 = arith.constant 7040 : i32
      %parallel_loop3A_579 = arith.addi %parallel_loop3A_578, %parallel_loop3A_577 : i32
      %parallel_loop3A_580 = arith.index_cast %parallel_loop3A_579 : i32 to index
      %parallel_loop3A_581 = tpu.vector_load %arg8[%parallel_loop3A_580] {strides = array<i32>} : memref<10240xf32, #tpu.memory_space<vmem>>, vector<16xf32>,
      %parallel_loop3A_582 = arith.addf %parallel_loop3A_575, %parallel_loop3A_581 : vector<16xf32>
      %parallel_loop3A_583 = arith.constant 16 : i32
      %parallel_loop3A_584 = arith.muli %parallel_loop3A_501, %parallel_loop3A_583 : i32
      %parallel_loop3A_585 = arith.constant 7680 : i32
      %parallel_loop3A_586 = arith.addi %parallel_loop3A_585, %parallel_loop3A_584 : i32
      %parallel_loop3A_587 = arith.index_cast %parallel_loop3A_586 : i32 to index
      %parallel_loop3A_588 = tpu.vector_load %arg8[%parallel_loop3A_587] {strides = array<i32>} : memref<10240xf32, #tpu.memory_space<vmem>>, vector<16xf32>,
      %parallel_loop3A_589 = arith.addf %parallel_loop3A_582, %parallel_loop3A_588 : vector<16xf32>
      %parallel_loop3A_590 = arith.constant 16 : i32
      %parallel_loop3A_591 = arith.muli %parallel_loop3A_501, %parallel_loop3A_590 : i32
      %parallel_loop3A_592 = arith.constant 8320 : i32
      %parallel_loop3A_593 = arith.addi %parallel_loop3A_592, %parallel_loop3A_591 : i32
      %parallel_loop3A_594 = arith.index_cast %parallel_loop3A_593 : i32 to index
      %parallel_loop3A_595 = tpu.vector_load %arg8[%parallel_loop3A_594] {strides = array<i32>} : memref<10240xf32, #tpu.memory_space<vmem>>, vector<16xf32>,
      %parallel_loop3A_596 = arith.addf %parallel_loop3A_589, %parallel_loop3A_595 : vector<16xf32>
      %parallel_loop3A_597 = arith.constant 16 : i32
      %parallel_loop3A_598 = arith.muli %parallel_loop3A_501, %parallel_loop3A_597 : i32
      %parallel_loop3A_599 = arith.constant 8960 : i32
      %parallel_loop3A_600 = arith.addi %parallel_loop3A_599, %parallel_loop3A_598 : i32
      %parallel_loop3A_601 = arith.index_cast %parallel_loop3A_600 : i32 to index
      %parallel_loop3A_602 = tpu.vector_load %arg8[%parallel_loop3A_601] {strides = array<i32>} : memref<10240xf32, #tpu.memory_space<vmem>>, vector<16xf32>,
      %parallel_loop3A_603 = arith.addf %parallel_loop3A_596, %parallel_loop3A_602 : vector<16xf32>
      %parallel_loop3A_604 = arith.constant 16 : i32
      %parallel_loop3A_605 = arith.muli %parallel_loop3A_501, %parallel_loop3A_604 : i32
      %parallel_loop3A_606 = arith.constant 9600 : i32
      %parallel_loop3A_607 = arith.addi %parallel_loop3A_606, %parallel_loop3A_605 : i32
      %parallel_loop3A_608 = arith.index_cast %parallel_loop3A_607 : i32 to index
      %parallel_loop3A_609 = tpu.vector_load %arg8[%parallel_loop3A_608] {strides = array<i32>} : memref<10240xf32, #tpu.memory_space<vmem>>, vector<16xf32>,
      %parallel_loop3A_610 = arith.addf %parallel_loop3A_603, %parallel_loop3A_609 : vector<16xf32>
      %parallel_loop3A_611 = arith.constant 16 : i32
      %parallel_loop3A_612 = arith.muli %parallel_loop3A_501, %parallel_loop3A_611 : i32
      %parallel_loop3A_613 = arith.index_cast %parallel_loop3A_612 : i32 to index
      %parallel_loop3A_614 = tpu.vector_load %arg9[%parallel_loop3A_613] {strides = array<i32>} : memref<640xf32, #tpu.memory_space<vmem>>, vector<16xf32>,
      tpu.vector_store %arg9[%parallel_loop3A_613], %parallel_loop3A_610 {strides = array<i32>} : memref<640xf32, #tpu.memory_space<vmem>>, vector<16xf32>,
    } {sc.loop_unroll_factor = 2 : i64, sc.parallel_access}
    %eq3A_484 = arith.constant 0 : i32
    %eq3A_485 = arith.cmpi eq, %arg0, %eq3A_484 : i32
    %convert_element_type3A_486 = arith.extui %eq3A_485 : i1 to i32
    %cond3A_487 = arith.constant 0 : i32
    %cond3A_488 = arith.cmpi ne, %convert_element_type3A_486, %cond3A_487 : i32
    scf.if %cond3A_488 {
      %add3A_501 = arith.constant 10240 : i32
      %add3A_502 = arith.addi %add3A_501, %mul3A_3 : i32
      "tpu.region"() ({
        %run_scoped3A = tpu.sem_alloc : memref<!tpu.dma_semaphore, #tpu.memory_space<semaphore_mem>>
        %dma_start3A_503 = tpu.memref_slice %arg3[%add3A_502] : memref<20480xf32, #tpu.memory_space<hbm>> -> memref<640xf32, #tpu.memory_space<hbm>>
        %dma_start3A_504 = tpu.memref_slice %arg3[%add3A_502] : memref<20480xf32, #tpu.memory_space<hbm>> -> memref<640xf32, #tpu.memory_space<hbm>>
        tpu.enqueue_dma source(%arg9 : memref<640xf32, #tpu.memory_space<vmem>>) target(%dma_start3A_504 : memref<640xf32, #tpu.memory_space<hbm>>) target_semaphore(%run_scoped3A : memref<!tpu.dma_semaphore, #tpu.memory_space<semaphore_mem>>)
        %dma_wait3A_505 = tpu.memref_slice %arg3[%add3A_502] : memref<20480xf32, #tpu.memory_space<hbm>> -> memref<640xf32, #tpu.memory_space<hbm>>
        %dma_wait3A_506 = tpu.memref_slice %arg3[%add3A_502] : memref<20480xf32, #tpu.memory_space<hbm>> -> memref<640xf32, #tpu.memory_space<hbm>>
        tpu.wait_dma2 semaphore(%run_scoped3A : memref<!tpu.dma_semaphore, #tpu.memory_space<semaphore_mem>>) src(%arg9 : memref<640xf32, #tpu.memory_space<vmem>>) dst(%dma_wait3A_506 : memref<640xf32, #tpu.memory_space<hbm>>)
        tpu.yield
      }) : () -> ()
    } else {
    }
    "tpu.region"() ({
      %run_scoped3A = tpu.sem_alloc : memref<!tpu.dma_semaphore, #tpu.memory_space<semaphore_mem>>
      %dma_start3A_501 = tpu.memref_slice %arg11[%mul3A_3] : memref<10240xf32, #tpu.memory_space<vmem_shared>> -> memref<640xf32, #tpu.memory_space<vmem_shared>>
      %dma_start3A_502 = tpu.memref_slice %arg11[%mul3A_3] : memref<10240xf32, #tpu.memory_space<vmem_shared>> -> memref<640xf32, #tpu.memory_space<vmem_shared>>
      tpu.enqueue_dma source(%arg9 : memref<640xf32, #tpu.memory_space<vmem>>) target(%dma_start3A_502 : memref<640xf32, #tpu.memory_space<vmem_shared>>) target_semaphore(%run_scoped3A : memref<!tpu.dma_semaphore, #tpu.memory_space<semaphore_mem>>)
      %dma_wait3A_503 = tpu.memref_slice %arg11[%mul3A_3] : memref<10240xf32, #tpu.memory_space<vmem_shared>> -> memref<640xf32, #tpu.memory_space<vmem_shared>>
      %dma_wait3A_504 = tpu.memref_slice %arg11[%mul3A_3] : memref<10240xf32, #tpu.memory_space<vmem_shared>> -> memref<640xf32, #tpu.memory_space<vmem_shared>>
      tpu.wait_dma2 semaphore(%run_scoped3A : memref<!tpu.dma_semaphore, #tpu.memory_space<semaphore_mem>>) src(%arg9 : memref<640xf32, #tpu.memory_space<vmem>>) dst(%dma_wait3A_504 : memref<640xf32, #tpu.memory_space<vmem_shared>>)
      tpu.yield
    }) : () -> ()
    %barrier3A_489 = arith.constant 0 : index
    tpu.barrier barrier_id(%barrier3A_489)
    tpu.enqueue_dma source(%arg11 : memref<10240xf32, #tpu.memory_space<vmem_shared>>) target(%arg6 : memref<10240xf32, #tpu.memory_space<vmem>>) target_semaphore(%arg13 : memref<!tpu.dma_semaphore, #tpu.memory_space<semaphore_mem>>)
    %parallel_loop3A_490 = arith.constant 0 : i32
    %parallel_loop3A_491 = arith.constant 640 : i32
    %parallel_loop3A_492 = arith.constant 1 : i32
    scf.for %parallel_loop3A_501 = %parallel_loop3A_490 to %parallel_loop3A_491 step %parallel_loop3A_492  : i32 {
      %parallel_loop3A_502 = arith.constant 16 : i32
      %parallel_loop3A_503 = arith.muli %parallel_loop3A_501, %parallel_loop3A_502 : i32
      %parallel_loop3A_504 = arith.index_cast %parallel_loop3A_503 : i32 to index
      %parallel_loop3A_505 = tpu.vector_load %arg7[%parallel_loop3A_504] {strides = array<i32>} : memref<10240xf32, #tpu.memory_space<vmem>>, vector<16xf32>,
      tpu.vector_store %arg7[%parallel_loop3A_504], %broadcast_in_dim3A_1 {strides = array<i32>} : memref<10240xf32, #tpu.memory_space<vmem>>, vector<16xf32>,
    } {sc.loop_unroll_factor = 8 : i64, sc.parallel_access}
    tpu.wait_dma2 semaphore(%arg13 : memref<!tpu.dma_semaphore, #tpu.memory_space<semaphore_mem>>) src(%arg11 : memref<10240xf32, #tpu.memory_space<vmem_shared>>) dst(%arg6 : memref<10240xf32, #tpu.memory_space<vmem>>)
    %parallel_loop3A_493 = arith.constant 0 : i32
    %parallel_loop3A_494 = arith.constant 1250 : i32
    %parallel_loop3A_495 = arith.constant 1 : i32
    scf.for %parallel_loop3A_501 = %parallel_loop3A_493 to %parallel_loop3A_494 step %parallel_loop3A_495  : i32 {
      %parallel_loop3A_502 = arith.constant 16 : i32
      %parallel_loop3A_503 = arith.muli %parallel_loop3A_501, %parallel_loop3A_502 : i32
      %parallel_loop3A_504 = arith.index_cast %parallel_loop3A_503 : i32 to index
      %parallel_loop3A_505 = tpu.vector_load %arg5[%parallel_loop3A_504] {strides = array<i32>} : memref<20000xi32, #tpu.memory_space<vmem>>, vector<16xi32>,
      %parallel_loop3A_506 = arith.andi %parallel_loop3A_505, %broadcast_in_dim3A_9 : vector<16xi32>
      %parallel_loop3A_507 = arith.constant 14 : i32
      %parallel_loop3A_508 = vector.broadcast %parallel_loop3A_507 : i32 to vector<16xi32>
      %parallel_loop3A_509 = arith.shrui %parallel_loop3A_505, %parallel_loop3A_508 : vector<16xi32>
      %parallel_loop3A_510 = tpu.vector_load_idx %arg6[%parallel_loop3A_506] : memref<10240xf32, #tpu.memory_space<vmem>>[vector<16xi32>], vector<16xf32>,
      tpu.vector_store_idx %arg7[%parallel_loop3A_509], %parallel_loop3A_510 {add = true} : memref<10240xf32, #tpu.memory_space<vmem>>[vector<16xi32>], vector<16xf32>,
    } {sc.loop_unroll_factor = 4 : i64, sc.parallel_access}
    %eq3A_496 = arith.constant 0 : i32
    %eq3A_497 = arith.cmpi eq, %arg0, %eq3A_496 : i32
    %convert_element_type3A_498 = arith.extui %eq3A_497 : i1 to i32
    %cond3A_499 = arith.constant 0 : i32
    %cond3A_500 = arith.cmpi ne, %convert_element_type3A_498, %cond3A_499 : i32
    scf.if %cond3A_500 {
      %mul3A_501 = arith.constant 10240 : i32
      %mul3A_502 = arith.muli %arg1, %mul3A_501 : i32
      "tpu.region"() ({
        %run_scoped3A = tpu.sem_alloc : memref<!tpu.dma_semaphore, #tpu.memory_space<semaphore_mem>>
        %dma_start3A_503 = tpu.memref_slice %arg4[%mul3A_502] : memref<163840xf32, #tpu.memory_space<hbm>> -> memref<10240xf32, #tpu.memory_space<hbm>>
        %dma_start3A_504 = tpu.memref_slice %arg4[%mul3A_502] : memref<163840xf32, #tpu.memory_space<hbm>> -> memref<10240xf32, #tpu.memory_space<hbm>>
        tpu.enqueue_dma source(%arg7 : memref<10240xf32, #tpu.memory_space<vmem>>) target(%dma_start3A_504 : memref<10240xf32, #tpu.memory_space<hbm>>) target_semaphore(%run_scoped3A : memref<!tpu.dma_semaphore, #tpu.memory_space<semaphore_mem>>)
        %dma_wait3A_505 = tpu.memref_slice %arg4[%mul3A_502] : memref<163840xf32, #tpu.memory_space<hbm>> -> memref<10240xf32, #tpu.memory_space<hbm>>
        %dma_wait3A_506 = tpu.memref_slice %arg4[%mul3A_502] : memref<163840xf32, #tpu.memory_space<hbm>> -> memref<10240xf32, #tpu.memory_space<hbm>>
        tpu.wait_dma2 semaphore(%run_scoped3A : memref<!tpu.dma_semaphore, #tpu.memory_space<semaphore_mem>>) src(%arg7 : memref<10240xf32, #tpu.memory_space<vmem>>) dst(%dma_wait3A_506 : memref<10240xf32, #tpu.memory_space<hbm>>)
        tpu.yield
      }) : () -> ()
    } else {
    }
    return
  }
}

module attributes {stable_mosaic.version = 14 : i64} {
  func.func @body(%arg0: memref<2x320000xi32, #tpu.memory_space<vmem>>, %arg1: memref<320000xi32, #tpu.memory_space<vmem>>) attributes {dimension_semantics = [], scalar_prefetch = 0 : i64, scratch_operands = 0 : i64, tpu.core_type = #tpu.core_type<tc>} {
    %get3A = arith.constant 0 : index
    %get3A_0 = arith.constant 0 : index
    %get3A_1 = vector.load %arg0[%get3A, %get3A_0] : memref<2x320000xi32, #tpu.memory_space<vmem>>, vector<1x320000xi32>
    %get3A_2 = vector.shape_cast %get3A_1 : vector<1x320000xi32> to vector<320000xi32>
    %shift_left3A = arith.constant 14 : i32
    %shift_left3A_3 = vector.broadcast %shift_left3A : i32 to vector<320000xi32>
    %shift_left3A_4 = arith.shli %get3A_2, %shift_left3A_3 : vector<320000xi32>
    %get3A_5 = arith.constant 1 : index
    %get3A_6 = arith.constant 0 : index
    %get3A_7 = vector.load %arg0[%get3A_5, %get3A_6] : memref<2x320000xi32, #tpu.memory_space<vmem>>, vector<1x320000xi32>
    %get3A_8 = vector.shape_cast %get3A_7 : vector<1x320000xi32> to vector<320000xi32>
    %or3A = arith.ori %shift_left3A_4, %get3A_8 : vector<320000xi32>
    %swap3A = arith.constant 0 : index
    %swap3A_9 = vector.load %arg1[%swap3A] : memref<320000xi32, #tpu.memory_space<vmem>>, vector<320000xi32>
    tpu.vector_store %arg1[%swap3A], %or3A {strides = array<i32>} : memref<320000xi32, #tpu.memory_space<vmem>>, vector<320000xi32>,
    return
  }
}

module attributes {stable_mosaic.version = 14 : i64} {
  func.func @body(%arg0: memref<10000x128xf32, #tpu.memory_space<vmem>>, %arg1: memref<20480xf32, #tpu.memory_space<vmem>>, %arg2: memref<163840xf32, #tpu.memory_space<vmem>>, %arg3: memref<128x128xf32, #tpu.memory_space<vmem>>, %arg4: memref<128x128xf32, #tpu.memory_space<vmem>>, %arg5: memref<1x128xf32, #tpu.memory_space<vmem>>, %arg6: memref<128x128xf32, #tpu.memory_space<vmem>>, %arg7: memref<128x128xf32, #tpu.memory_space<vmem>>, %arg8: memref<1x128xf32, #tpu.memory_space<vmem>>, %arg9: memref<128x128xf32, #tpu.memory_space<vmem>>, %arg10: memref<128x128xf32, #tpu.memory_space<vmem>>, %arg11: memref<1x128xf32, #tpu.memory_space<vmem>>, %arg12: memref<1x128xf32, #tpu.memory_space<vmem>>) attributes {dimension_semantics = [], scalar_prefetch = 0 : i64, scratch_operands = 0 : i64, tpu.core_type = #tpu.core_type<tc>} {
    %iota3A = tpu.iota {dimensions = array<i32: 1>} : vector<1x10000xi32>
    %lt3A = arith.constant 10 : i32
    %lt3A_0 = vector.broadcast %lt3A : i32 to vector<1x10000xi32>
    %lt3A_1 = arith.cmpi slt, %iota3A, %lt3A_0 : vector<1x10000xi32>
    %jit3A = arith.constant 1.000000e-01 : f32
    %jit3A_2 = arith.constant 0.000000e+00 : f32
    %broadcast_in_dim3A = vector.broadcast %jit3A : f32 to vector<1x10000xf32>
    %broadcast_in_dim3A_3 = vector.broadcast %jit3A_2 : f32 to vector<1x10000xf32>
    %select_n3A = arith.select %lt3A_1, %broadcast_in_dim3A, %broadcast_in_dim3A_3 : vector<1x10000xi1>, vector<1x10000xf32>
    %get3A = arith.constant 0 : index
    %get3A_4 = vector.load %arg1[%get3A] : memref<20480xf32, #tpu.memory_space<vmem>>, vector<20480xf32>
    %slice3A = vector.extract_strided_slice %get3A_4 {offsets = [0], sizes = [10240], strides = [1]} : vector<20480xf32> to vector<10240xf32>
    %reshape3A = vector.shape_cast %slice3A : vector<10240xf32> to vector<1x10240xf32>
    %slice3A_5 = vector.extract_strided_slice %get3A_4 {offsets = [10240], sizes = [10240], strides = [1]} : vector<20480xf32> to vector<10240xf32>
    %reshape3A_6 = vector.shape_cast %slice3A_5 : vector<10240xf32> to vector<1x10240xf32>
    %get3A_7 = arith.constant 0 : index
    %get3A_8 = vector.load %arg2[%get3A_7] : memref<163840xf32, #tpu.memory_space<vmem>>, vector<163840xf32>
    %slice3A_9 = vector.extract_strided_slice %get3A_8 {offsets = [0], sizes = [10240], strides = [1]} : vector<163840xf32> to vector<10240xf32>
    %slice3A_10 = vector.extract_strided_slice %get3A_8 {offsets = [10240], sizes = [10240], strides = [1]} : vector<163840xf32> to vector<10240xf32>
    %add3A = arith.addf %slice3A_9, %slice3A_10 : vector<10240xf32>
    %slice3A_11 = vector.extract_strided_slice %get3A_8 {offsets = [20480], sizes = [10240], strides = [1]} : vector<163840xf32> to vector<10240xf32>
    %add3A_12 = arith.addf %add3A, %slice3A_11 : vector<10240xf32>
    %slice3A_13 = vector.extract_strided_slice %get3A_8 {offsets = [30720], sizes = [10240], strides = [1]} : vector<163840xf32> to vector<10240xf32>
    %add3A_14 = arith.addf %add3A_12, %slice3A_13 : vector<10240xf32>
    %slice3A_15 = vector.extract_strided_slice %get3A_8 {offsets = [40960], sizes = [10240], strides = [1]} : vector<163840xf32> to vector<10240xf32>
    %add3A_16 = arith.addf %add3A_14, %slice3A_15 : vector<10240xf32>
    %slice3A_17 = vector.extract_strided_slice %get3A_8 {offsets = [51200], sizes = [10240], strides = [1]} : vector<163840xf32> to vector<10240xf32>
    %add3A_18 = arith.addf %add3A_16, %slice3A_17 : vector<10240xf32>
    %slice3A_19 = vector.extract_strided_slice %get3A_8 {offsets = [61440], sizes = [10240], strides = [1]} : vector<163840xf32> to vector<10240xf32>
    %add3A_20 = arith.addf %add3A_18, %slice3A_19 : vector<10240xf32>
    %slice3A_21 = vector.extract_strided_slice %get3A_8 {offsets = [71680], sizes = [10240], strides = [1]} : vector<163840xf32> to vector<10240xf32>
    %add3A_22 = arith.addf %add3A_20, %slice3A_21 : vector<10240xf32>
    %slice3A_23 = vector.extract_strided_slice %get3A_8 {offsets = [81920], sizes = [10240], strides = [1]} : vector<163840xf32> to vector<10240xf32>
    %add3A_24 = arith.addf %add3A_22, %slice3A_23 : vector<10240xf32>
    %slice3A_25 = vector.extract_strided_slice %get3A_8 {offsets = [92160], sizes = [10240], strides = [1]} : vector<163840xf32> to vector<10240xf32>
    %add3A_26 = arith.addf %add3A_24, %slice3A_25 : vector<10240xf32>
    %slice3A_27 = vector.extract_strided_slice %get3A_8 {offsets = [102400], sizes = [10240], strides = [1]} : vector<163840xf32> to vector<10240xf32>
    %add3A_28 = arith.addf %add3A_26, %slice3A_27 : vector<10240xf32>
    %slice3A_29 = vector.extract_strided_slice %get3A_8 {offsets = [112640], sizes = [10240], strides = [1]} : vector<163840xf32> to vector<10240xf32>
    %add3A_30 = arith.addf %add3A_28, %slice3A_29 : vector<10240xf32>
    %slice3A_31 = vector.extract_strided_slice %get3A_8 {offsets = [122880], sizes = [10240], strides = [1]} : vector<163840xf32> to vector<10240xf32>
    %add3A_32 = arith.addf %add3A_30, %slice3A_31 : vector<10240xf32>
    %slice3A_33 = vector.extract_strided_slice %get3A_8 {offsets = [133120], sizes = [10240], strides = [1]} : vector<163840xf32> to vector<10240xf32>
    %add3A_34 = arith.addf %add3A_32, %slice3A_33 : vector<10240xf32>
    %slice3A_35 = vector.extract_strided_slice %get3A_8 {offsets = [143360], sizes = [10240], strides = [1]} : vector<163840xf32> to vector<10240xf32>
    %add3A_36 = arith.addf %add3A_34, %slice3A_35 : vector<10240xf32>
    %slice3A_37 = vector.extract_strided_slice %get3A_8 {offsets = [153600], sizes = [10240], strides = [1]} : vector<163840xf32> to vector<10240xf32>
    %add3A_38 = arith.addf %add3A_36, %slice3A_37 : vector<10240xf32>
    %reshape3A_39 = vector.shape_cast %add3A_38 : vector<10240xf32> to vector<1x10240xf32>
    %slice3A_40 = vector.extract_strided_slice %reshape3A {offsets = [0, 0], sizes = [1, 10000], strides = [1, 1]} : vector<1x10240xf32> to vector<1x10000xf32>
    %slice3A_41 = vector.extract_strided_slice %reshape3A_6 {offsets = [0, 0], sizes = [1, 10000], strides = [1, 1]} : vector<1x10240xf32> to vector<1x10000xf32>
    %slice3A_42 = vector.extract_strided_slice %reshape3A_39 {offsets = [0, 0], sizes = [1, 10000], strides = [1, 1]} : vector<1x10240xf32> to vector<1x10000xf32>
    %concatenate3A = tpu.concatenate %select_n3A, %slice3A_40, %slice3A_41, %slice3A_42 in 0 : vector<1x10000xf32>, vector<1x10000xf32>, vector<1x10000xf32>, vector<1x10000xf32> -> vector<4x10000xf32>
    %reduce_sum3A = arith.constant dense<0.000000e+00> : vector<4xf32>
    %reduce_sum3A_43 = vector.multi_reduction <add>, %concatenate3A, %reduce_sum3A [1] : vector<4x10000xf32> to vector<4xf32>
    %broadcast_in_dim3A_44 = vector.shape_cast %reduce_sum3A_43 : vector<4xf32> to vector<4x1xf32>
    %get3A_45 = arith.constant 0 : index
    %get3A_46 = arith.constant 0 : index
    %get3A_47 = vector.load %arg0[%get3A_45, %get3A_46] : memref<10000x128xf32, #tpu.memory_space<vmem>>, vector<10000x128xf32>
    %dot_general3A = arith.constant dense<0.000000e+00> : vector<4x128xf32>
    %dot_general3A_48 = tpu.matmul %concatenate3A, %get3A_47, %dot_general3A {dimension_numbers = #tpu.dot_dimension_numbers<[1], [0], [0], [1], [0, 0, 1, 1], [], []>, transpose_lhs_hint = false} : vector<4x10000xf32>, vector<10000x128xf32>, vector<4x128xf32> -> vector<4x128xf32>
    %slice3A_49 = vector.extract_strided_slice %dot_general3A_48 {offsets = [0, 0], sizes = [1, 128], strides = [1, 1]} : vector<4x128xf32> to vector<1x128xf32>
    %slice3A_50 = vector.extract_strided_slice %dot_general3A_48 {offsets = [1, 0], sizes = [1, 128], strides = [1, 1]} : vector<4x128xf32> to vector<1x128xf32>
    %slice3A_51 = vector.extract_strided_slice %dot_general3A_48 {offsets = [2, 0], sizes = [1, 128], strides = [1, 1]} : vector<4x128xf32> to vector<1x128xf32>
    %slice3A_52 = vector.extract_strided_slice %dot_general3A_48 {offsets = [3, 0], sizes = [1, 128], strides = [1, 1]} : vector<4x128xf32> to vector<1x128xf32>
    %slice3A_53 = vector.extract_strided_slice %broadcast_in_dim3A_44 {offsets = [1, 0], sizes = [1, 1], strides = [1, 1]} : vector<4x1xf32> to vector<1x1xf32>
    %slice3A_54 = vector.extract_strided_slice %broadcast_in_dim3A_44 {offsets = [2, 0], sizes = [1, 1], strides = [1, 1]} : vector<4x1xf32> to vector<1x1xf32>
    %get3A_55 = arith.constant 0 : index
    %get3A_56 = arith.constant 0 : index
    %get3A_57 = vector.load %arg5[%get3A_55, %get3A_56] : memref<1x128xf32, #tpu.memory_space<vmem>>, vector<1x128xf32>
    %get3A_58 = arith.constant 0 : index
    %get3A_59 = arith.constant 0 : index
    %get3A_60 = vector.load %arg8[%get3A_58, %get3A_59] : memref<1x128xf32, #tpu.memory_space<vmem>>, vector<1x128xf32>
    %get3A_61 = arith.constant 0 : index
    %get3A_62 = arith.constant 0 : index
    %get3A_63 = vector.load %arg11[%get3A_61, %get3A_62] : memref<1x128xf32, #tpu.memory_space<vmem>>, vector<1x128xf32>
    %get3A_64 = arith.constant 0 : index
    %get3A_65 = arith.constant 0 : index
    %get3A_66 = vector.load %arg3[%get3A_64, %get3A_65] : memref<128x128xf32, #tpu.memory_space<vmem>>, vector<128x128xf32>
    %dot_general3A_67 = arith.constant dense<0.000000e+00> : vector<1x128xf32>
    %dot_general3A_68 = tpu.matmul %slice3A_52, %get3A_66, %dot_general3A_67 {dimension_numbers = #tpu.dot_dimension_numbers<[1], [0], [0], [1], [0, 0, 1, 1], [], []>, transpose_lhs_hint = false} : vector<1x128xf32>, vector<128x128xf32>, vector<1x128xf32> -> vector<1x128xf32>
    %mul3A = vector.broadcast %slice3A_54 : vector<1x1xf32> to vector<1x128xf32>
    %mul3A_69 = arith.mulf %mul3A, %get3A_57 : vector<1x128xf32>
    %add3A_70 = arith.addf %dot_general3A_68, %mul3A_69 : vector<1x128xf32>
    %get3A_71 = arith.constant 0 : index
    %get3A_72 = arith.constant 0 : index
    %get3A_73 = vector.load %arg4[%get3A_71, %get3A_72] : memref<128x128xf32, #tpu.memory_space<vmem>>, vector<128x128xf32>
    %dot_general3A_74 = arith.constant dense<0.000000e+00> : vector<1x128xf32>
    %dot_general3A_75 = tpu.matmul %slice3A_51, %get3A_73, %dot_general3A_74 {dimension_numbers = #tpu.dot_dimension_numbers<[1], [0], [0], [1], [0, 0, 1, 1], [], []>, transpose_lhs_hint = false} : vector<1x128xf32>, vector<128x128xf32>, vector<1x128xf32> -> vector<1x128xf32>
    %add3A_76 = arith.addf %add3A_70, %dot_general3A_75 : vector<1x128xf32>
    %get3A_77 = arith.constant 0 : index
    %get3A_78 = arith.constant 0 : index
    %get3A_79 = vector.load %arg3[%get3A_77, %get3A_78] : memref<128x128xf32, #tpu.memory_space<vmem>>, vector<128x128xf32>
    %dot_general3A_80 = arith.constant dense<0.000000e+00> : vector<1x128xf32>
    %dot_general3A_81 = tpu.matmul %slice3A_51, %get3A_79, %dot_general3A_80 {dimension_numbers = #tpu.dot_dimension_numbers<[1], [0], [0], [1], [0, 0, 1, 1], [], []>, transpose_lhs_hint = false} : vector<1x128xf32>, vector<128x128xf32>, vector<1x128xf32> -> vector<1x128xf32>
    %mul3A_82 = vector.broadcast %slice3A_53 : vector<1x1xf32> to vector<1x128xf32>
    %mul3A_83 = arith.mulf %mul3A_82, %get3A_57 : vector<1x128xf32>
    %add3A_84 = arith.addf %dot_general3A_81, %mul3A_83 : vector<1x128xf32>
    %get3A_85 = arith.constant 0 : index
    %get3A_86 = arith.constant 0 : index
    %get3A_87 = vector.load %arg4[%get3A_85, %get3A_86] : memref<128x128xf32, #tpu.memory_space<vmem>>, vector<128x128xf32>
    %dot_general3A_88 = arith.constant dense<0.000000e+00> : vector<1x128xf32>
    %dot_general3A_89 = tpu.matmul %slice3A_50, %get3A_87, %dot_general3A_88 {dimension_numbers = #tpu.dot_dimension_numbers<[1], [0], [0], [1], [0, 0, 1, 1], [], []>, transpose_lhs_hint = false} : vector<1x128xf32>, vector<128x128xf32>, vector<1x128xf32> -> vector<1x128xf32>
    %add3A_90 = arith.addf %add3A_84, %dot_general3A_89 : vector<1x128xf32>
    %get3A_91 = arith.constant 0 : index
    %get3A_92 = arith.constant 0 : index
    %get3A_93 = vector.load %arg3[%get3A_91, %get3A_92] : memref<128x128xf32, #tpu.memory_space<vmem>>, vector<128x128xf32>
    %dot_general3A_94 = arith.constant dense<0.000000e+00> : vector<1x128xf32>
    %dot_general3A_95 = tpu.matmul %slice3A_50, %get3A_93, %dot_general3A_94 {dimension_numbers = #tpu.dot_dimension_numbers<[1], [0], [0], [1], [0, 0, 1, 1], [], []>, transpose_lhs_hint = false} : vector<1x128xf32>, vector<128x128xf32>, vector<1x128xf32> -> vector<1x128xf32>
    %add3A_96 = arith.addf %dot_general3A_95, %get3A_57 : vector<1x128xf32>
    %get3A_97 = arith.constant 0 : index
    %get3A_98 = arith.constant 0 : index
    %get3A_99 = vector.load %arg4[%get3A_97, %get3A_98] : memref<128x128xf32, #tpu.memory_space<vmem>>, vector<128x128xf32>
    %dot_general3A_100 = arith.constant dense<0.000000e+00> : vector<1x128xf32>
    %dot_general3A_101 = tpu.matmul %slice3A_49, %get3A_99, %dot_general3A_100 {dimension_numbers = #tpu.dot_dimension_numbers<[1], [0], [0], [1], [0, 0, 1, 1], [], []>, transpose_lhs_hint = false} : vector<1x128xf32>, vector<128x128xf32>, vector<1x128xf32> -> vector<1x128xf32>
    %add3A_102 = arith.addf %add3A_96, %dot_general3A_101 : vector<1x128xf32>
    %get3A_103 = arith.constant 0 : index
    %get3A_104 = arith.constant 0 : index
    %get3A_105 = vector.load %arg6[%get3A_103, %get3A_104] : memref<128x128xf32, #tpu.memory_space<vmem>>, vector<128x128xf32>
    %dot_general3A_106 = arith.constant dense<0.000000e+00> : vector<1x128xf32>
    %dot_general3A_107 = tpu.matmul %add3A_76, %get3A_105, %dot_general3A_106 {dimension_numbers = #tpu.dot_dimension_numbers<[1], [0], [0], [1], [0, 0, 1, 1], [], []>, transpose_lhs_hint = false} : vector<1x128xf32>, vector<128x128xf32>, vector<1x128xf32> -> vector<1x128xf32>
    %mul3A_108 = vector.broadcast %slice3A_53 : vector<1x1xf32> to vector<1x128xf32>
    %mul3A_109 = arith.mulf %mul3A_108, %get3A_60 : vector<1x128xf32>
    %add3A_110 = arith.addf %dot_general3A_107, %mul3A_109 : vector<1x128xf32>
    %get3A_111 = arith.constant 0 : index
    %get3A_112 = arith.constant 0 : index
    %get3A_113 = vector.load %arg7[%get3A_111, %get3A_112] : memref<128x128xf32, #tpu.memory_space<vmem>>, vector<128x128xf32>
    %dot_general3A_114 = arith.constant dense<0.000000e+00> : vector<1x128xf32>
    %dot_general3A_115 = tpu.matmul %add3A_90, %get3A_113, %dot_general3A_114 {dimension_numbers = #tpu.dot_dimension_numbers<[1], [0], [0], [1], [0, 0, 1, 1], [], []>, transpose_lhs_hint = false} : vector<1x128xf32>, vector<128x128xf32>, vector<1x128xf32> -> vector<1x128xf32>
    %add3A_116 = arith.addf %add3A_110, %dot_general3A_115 : vector<1x128xf32>
    %get3A_117 = arith.constant 0 : index
    %get3A_118 = arith.constant 0 : index
    %get3A_119 = vector.load %arg6[%get3A_117, %get3A_118] : memref<128x128xf32, #tpu.memory_space<vmem>>, vector<128x128xf32>
    %dot_general3A_120 = arith.constant dense<0.000000e+00> : vector<1x128xf32>
    %dot_general3A_121 = tpu.matmul %add3A_90, %get3A_119, %dot_general3A_120 {dimension_numbers = #tpu.dot_dimension_numbers<[1], [0], [0], [1], [0, 0, 1, 1], [], []>, transpose_lhs_hint = false} : vector<1x128xf32>, vector<128x128xf32>, vector<1x128xf32> -> vector<1x128xf32>
    %add3A_122 = arith.addf %dot_general3A_121, %get3A_60 : vector<1x128xf32>
    %get3A_123 = arith.constant 0 : index
    %get3A_124 = arith.constant 0 : index
    %get3A_125 = vector.load %arg7[%get3A_123, %get3A_124] : memref<128x128xf32, #tpu.memory_space<vmem>>, vector<128x128xf32>
    %dot_general3A_126 = arith.constant dense<0.000000e+00> : vector<1x128xf32>
    %dot_general3A_127 = tpu.matmul %add3A_102, %get3A_125, %dot_general3A_126 {dimension_numbers = #tpu.dot_dimension_numbers<[1], [0], [0], [1], [0, 0, 1, 1], [], []>, transpose_lhs_hint = false} : vector<1x128xf32>, vector<128x128xf32>, vector<1x128xf32> -> vector<1x128xf32>
    %add3A_128 = arith.addf %add3A_122, %dot_general3A_127 : vector<1x128xf32>
    %get3A_129 = arith.constant 0 : index
    %get3A_130 = arith.constant 0 : index
    %get3A_131 = vector.load %arg9[%get3A_129, %get3A_130] : memref<128x128xf32, #tpu.memory_space<vmem>>, vector<128x128xf32>
    %dot_general3A_132 = arith.constant dense<0.000000e+00> : vector<1x128xf32>
    %dot_general3A_133 = tpu.matmul %add3A_116, %get3A_131, %dot_general3A_132 {dimension_numbers = #tpu.dot_dimension_numbers<[1], [0], [0], [1], [0, 0, 1, 1], [], []>, transpose_lhs_hint = false} : vector<1x128xf32>, vector<128x128xf32>, vector<1x128xf32> -> vector<1x128xf32>
    %add3A_134 = arith.addf %dot_general3A_133, %get3A_63 : vector<1x128xf32>
    %get3A_135 = arith.constant 0 : index
    %get3A_136 = arith.constant 0 : index
    %get3A_137 = vector.load %arg10[%get3A_135, %get3A_136] : memref<128x128xf32, #tpu.memory_space<vmem>>, vector<128x128xf32>
    %dot_general3A_138 = arith.constant dense<0.000000e+00> : vector<1x128xf32>
    %dot_general3A_139 = tpu.matmul %add3A_128, %get3A_137, %dot_general3A_138 {dimension_numbers = #tpu.dot_dimension_numbers<[1], [0], [0], [1], [0, 0, 1, 1], [], []>, transpose_lhs_hint = false} : vector<1x128xf32>, vector<128x128xf32>, vector<1x128xf32> -> vector<1x128xf32>
    %add3A_140 = arith.addf %add3A_134, %dot_general3A_139 : vector<1x128xf32>
    %swap3A = arith.constant 0 : index
    %swap3A_141 = arith.constant 0 : index
    %swap3A_142 = vector.load %arg12[%swap3A, %swap3A_141] : memref<1x128xf32, #tpu.memory_space<vmem>>, vector<1x128xf32>
    tpu.vector_store %arg12[%swap3A, %swap3A_141], %add3A_140 {strides = array<i32>} : memref<1x128xf32, #tpu.memory_space<vmem>>, vector<1x128xf32>,
    return
  }
}

</mosaic_0001>

<sc_bundles>
// kernel: kernel.5.cloned.1.call-start
scs
__scs_entry_jumppad:
0x0: {  	(pc) =	sbr.rel $0x88, $3  }
0x1: {  	(tag) =	ssettag $0x0;
	lr =	simm.s32 $0x1  }
0x2: {  	[smem:$0x3F96] =	sst lr;
	_ =	strace $0xD0000000  }
0x3: {  	_ = 	snop  }
0x4: {  	_ = 	snop  }
0x5: {  	_ = 	snop  }
0x6: {  	_ = 	snop  }
0x7: {  	_ = 	snop  }
__scs_overlays_trampoline_lowered:
0x8: {  	[smem:$0x3FA5] =	sst s0  }
0x9: {  	[smem:$0x3FA6] =	sst s1  }
0xa: {  	[smem:$0x3FA7] =	sst s2  }
0xb: {  	[smem:$0x3FA8] =	sst s3  }
0xc: {  	[smem:$0x3FA9] =	sst s4  }
0xd: {  	[smem:$0x3FAA] =	sst s5  }
0xe: {  	[smem:$0x3FAB] =	sst s6  }
0xf: {  	[smem:$0x3FAC] =	sst s7  }
0x10: {  	[smem:$0x3FAD] =	sst s8  }
0x11: {  	[smem:$0x3FAE] =	sst s9;
	s0 =	simm.s32 @!p0 $0x0  }
0x12: {  	s1 =	sld [smem:$0x3F94];
	s0 =	simm.s32 @p0 $0x1  }
0x13: {  	[smem:$0x3FAF] =	sst s0;
	s0 =	simm.s32 @!p1 $0x0  }
0x14: {  	s2 =	sld [smem:$0x3F93];
	s0 =	simm.s32 @p1 $0x1  }
0x15: {  	[smem:$0x3FB0] =	sst s0;
	s0 =	simm.s32 @!p2 $0x0  }
0x16: {  	s3 =	sld [smem:$0x3FDB];
	s0 =	simm.s32 @p2 $0x1  }
0x17: {  	s4 =	simm.s32 $0x1BF5;
	[smem:$0x3FB2] =	sst s0  }
0x18: {  	s0 =	sld [smem:$0x3F95];
	_ =	swait.ge [sflag:s4], $0x0  }
0x19: {  	s7 =	sld [smem:$0x3F96]  }
0x1a: {  	s8 =	sadd.s32 $0xFFFFE003, lr  }
0x1b: {  	s9 =	sadd.s32 $0xFFFFFEF7, lr;
	s5 =	simm.s32 $0xFFFFFFFF;
	p2 =	slt.u32 s8, $0xFFFFF086  }
0x1c: {  	p1 =	slt.u32 s9, $0xF7A;
	s5 =	simm.s32 @!p2 $0x0  }
0x1d: {  	s5 =	simm.s32 @p1 $0x1;
	p0 =	seq.s32 s7, s2  }
0x1e: {  	s7 =	smul.u32 @!p0 $0xF7A, s2;
	p2 =	seq.s32 @!p0 s5, $0x0  }
0x1f: {  	s9 =	smul.u32 $0xF7A, s1;
	s8 =	simm.s32 @!p0 $0x1BF5;
	p2 =	por !p2, p0  }
0x20: {  	[sflag:s8] =	ssyncset.s32 @!p0 $0xFFFFF086;
	s6 =	sadd.s32 @!p0 s3, s7;
	s7 =	simm.s32 @!p0 $0x108  }
0x21: {  	s3 =	sadd.s32 s3, s9;
	s6 =	sadd.s32 @!p0 $0x88, s6;
	s7 =	simm.s32 @p2 $0x1082  }
0x22: {  	[simem:s7], [sflag:s8] =	dma.local @!p0 [hbm:s6], $0xF7A  }
0x23: {  	s9 =	sor.u32 $0xD0000000, s2;
	s6 =	simm.s32 $0x108;
	_ =	swait.ge @!p0 [sflag:s8], $0x0  }
0x24: {  	s3 =	sadd.s32 $0x88, s3;
	s6 =	simm.s32 @!p1 $0x1082;
	[sflag:s4] =	ssyncset.s32 $0xFFFFF086  }
0x25: {  	[simem:s6], [sflag:s4] =	dma.local [hbm:s3], $0xF7A  }
0x26: {  	[smem:$0x3F96] =	sst s1;
	(tag) =	ssettag s2;
	_ =	strace s9  }
0x27: {  	s1 =	sld [smem:$0x3FA6]  }
0x28: {  	s2 =	sld [smem:$0x3FA7]  }
0x29: {  	s4 =	sld [smem:$0x3FA9]  }
0x2a: {  	p0 =	seq.s32 s5, $0x0;
	s5 =	sld [smem:$0x3FAA]  }
0x2b: {  	s6 =	sld [smem:$0x3FAB]  }
0x2c: {  	s7 =	sld [smem:$0x3FAC]  }
0x2d: {  	s3 =	simm.s32 $0x108;
	s8 =	sld [smem:$0x3FAD]  }
0x2e: {  	s3 =	simm.s32 @!p0 $0x1082;
	s9 =	sld [smem:$0x3FAE]  }
0x2f: {  	lr =	sadd.s32 s0, s3;
	s0 =	sld [smem:$0x3FA5]  }
0x30: {  	s3 =	sld [smem:$0x3FA8]  }
0x31: {  	[smem:$0x3FB1] =	sst s10  }
0x32: {  	s10 =	sld [smem:$0x3FAF];
	_ =	sdelay $0x3  }
0x33: {  	p0 =	seq.s32 s10, $0x1;
	s10 =	sld [smem:$0x3FB1];
	_ =	sdelay $0x3  }
0x34: {  	[smem:$0x3FB1] =	sst s10  }
0x35: {  	s10 =	sld [smem:$0x3FB0];
	_ =	sdelay $0x3  }
0x36: {  	p1 =	seq.s32 s10, $0x1;
	s10 =	sld [smem:$0x3FB1];
	_ =	sdelay $0x3  }
0x37: {  	[smem:$0x3FB1] =	sst s10  }
0x38: {  	s10 =	sld [smem:$0x3FB2]  }
0x39: {  	_ = 	snop;
	(pc) =	sbr.ind lr, $3  }
0x3a: {  	_ = 	snop  }
0x3b: {  	_ = 	snop  }
0x3c: {  	p2 =	seq.s32 s10, $0x1;
	s10 =	sld [smem:$0x3FB1]  }
0x3d: {  	_ =	shalt  }
0x3e: {  	_ =	shalt  }
0x3f: {  	_ =	shalt  }
0x40: {  	_ =	shalt  }
0x41: {  	_ =	shalt  }
0x42: {  	_ =	shalt  }
0x43: {  	_ =	shalt  }
0x44: {  	_ =	shalt  }
0x45: {  	_ =	shalt  }
0x46: {  	_ =	shalt  }
0x47: {  	_ =	shalt  }
0x48: {  	_ =	shalt  }
0x49: {  	_ =	shalt  }
0x4a: {  	_ =	shalt  }
0x4b: {  	_ =	shalt  }
0x4c: {  	_ =	shalt  }
0x4d: {  	_ =	shalt  }
0x4e: {  	_ =	shalt  }
0x4f: {  	_ =	shalt  }
0x50: {  	_ =	shalt  }
0x51: {  	_ =	shalt  }
0x52: {  	_ =	shalt  }
0x53: {  	_ =	shalt  }
0x54: {  	_ =	shalt  }
0x55: {  	_ =	shalt  }
0x56: {  	_ =	shalt  }
0x57: {  	_ =	shalt  }
0x58: {  	_ =	shalt  }
0x59: {  	_ =	shalt  }
0x5a: {  	_ =	shalt  }
0x5b: {  	_ =	shalt  }
0x5c: {  	_ =	shalt  }
0x5d: {  	_ =	shalt  }
0x5e: {  	_ =	shalt  }
0x5f: {  	_ =	shalt  }
0x60: {  	_ =	shalt  }
0x61: {  	_ =	shalt  }
0x62: {  	_ =	shalt  }
0x63: {  	_ =	shalt  }
0x64: {  	_ =	shalt  }
0x65: {  	_ =	shalt  }
0x66: {  	_ =	shalt  }
0x67: {  	_ =	shalt  }
0x68: {  	_ =	shalt  }
0x69: {  	_ =	shalt  }
0x6a: {  	_ =	shalt  }
0x6b: {  	_ =	shalt  }
0x6c: {  	_ =	shalt  }
0x6d: {  	_ =	shalt  }
0x6e: {  	_ =	shalt  }
0x6f: {  	_ =	shalt  }
0x70: {  	_ =	shalt  }
0x71: {  	_ =	shalt  }
0x72: {  	_ =	shalt  }
0x73: {  	_ =	shalt  }
0x74: {  	_ =	shalt  }
0x75: {  	_ =	shalt  }
0x76: {  	_ =	shalt  }
0x77: {  	_ =	shalt  }
0x78: {  	_ =	shalt  }
0x79: {  	_ =	shalt  }
0x7a: {  	_ =	shalt  }
0x7b: {  	_ =	shalt  }
0x7c: {  	_ =	shalt  }
0x7d: {  	_ =	shalt  }
0x7e: {  	_ =	shalt  }
0x7f: {  	_ =	shalt  }
0x80: {  	_ =	shalt  }
0x81: {  	_ =	shalt  }
0x82: {  	_ =	shalt  }
0x83: {  	_ =	shalt  }
0x84: {  	_ =	shalt  }
0x85: {  	_ =	shalt  }
0x86: {  	_ =	shalt  }
0x87: {  	_ =	shalt  }
.Lfunc_end0:
.L_simem_size_0:
called_computation_lowered:
.L_overlay_start_0:
0x88: {  	s2 =	sld [smem:$0x3FD9]  }
0x89: {  	s3 =	sld [smem:$0x3FFE];
	_ =	sdelay $0x1  }
0x8a: {  	s1 =	srdreg.scid  }
0x8b: {  	s0 =	sand.u32 $0x1, s1  }
0x8c: {  	s16 =	sshll.u32 s0, $0xA;
	s2 =	sadd.s32 s3, s2  }
0x8d: {  	s2 =	sadd.s32 s2, s16  }
0x8e: {  	[smem:$0x3FBD] =	sst s2  }
0x8f: {  	_ = 	snop  }
0x90: {  	(tm) =	ssettm $0x1  }
0x91: {  	s17 =	sld [smem:$0x3FFB];
	_ =	sdelay $0x3  }
0x92: {  	_ =	strace s17  }
0x93: {  	s2 =	sld [smem:$0x3FFC];
	_ =	sdelay $0x3  }
0x94: {  	_ =	strace s2  }
0x95: {  	s2 =	sld [smem:$0x3FFD];
	_ =	sdelay $0x3  }
0x96: {  	_ =	strace s2  }
0x97: {  	_ =	strace $0x8FFFFFFF  }
0x98: {  	s18 =	sld [smem:$0x3FDB];
	_ =	sdelay $0x1  }
0x99: {  	s19 =	simm.s32 $_scs_section_size  }
0x9a: {  	s4 =	simm.s32 $_size__tile_overlayer_lowered;
	s5 =	simm.s32 $_tile_overlayer_lowered  }
0x9b: {  	s22 =	simm.s32 $0x1BFF;
	s21 =	sshll.u32 s5, $0x1;
	s2 =	sadd.s32 s19, s18  }
0x9c: {  	s6 =	simm.s32 $0x0;
	s20 =	sshll.u32 s4, $0x1;
	s4 =	sadd.s32 s21, s2  }
0x9d: {  	[timem:s6], [sflag:s22] =	dma.local [hbm:s4], s20  }
0x9e: {  	_ =	swait.ge [sflag:s22], s20  }
0x9f: {  	s3 =	ssub.s32 $0x0, s20;
	[sflag:s22] =	ssyncset.done $0x0  }
0xa0: {  	[sflag:s22] =	ssyncadd.s32 s3;
	_ =	sdelay $0x1  }
0xa1: {  	s23 =	simm.s32 $0x1B8B  }
0xa2: {  	_ =	swait.ge [sflag:s23], $0x1  }
0xa3: {  	[sflag:s23] =	ssyncset.done $0x0  }
0xa4: {  	s25 =	simm.s32 $0x1B8E;
	s24 =	sld [smem:$0x3FFE];
	[sflag:s23] =	ssyncadd.s32 $0xFFFFFFFF  }
0xa5: {  	s26 =	simm.s32 $execute0_lowered;
	[smem:$0x3FD2] =	sst s25  }
0xa6: {  	s4 =	sshll.u32 s26, $0x1;
	_ =	strace $0x80000046;
	[dreg:$0x1] =	wrdreg $0xFFFFFFFF  }
0xa7: {  	s28 =	simm.s32 $_size_execute0_lowered;
	s2 =	sadd.s32 s2, s4;
	[dreg:$0x0] =	wrdreg $0x0  }
0xa8: {  	s4 =	sshll.u32 s28, $0x1;
	[dreg:$0x2] =	wrdreg s2  }
0xa9: {  	[dreg:$0x3] =	wrdreg s4  }
0xaa: {  	[dreg:$0x4] =	wrdreg $0xC0  }
0xab: {  	_ =	task [dreg:s6], $0x5FFFF  }
0xac: {  	[dreg:$0x1] =	wrdreg $0xFFFFFFFF  }
0xad: {  	[dreg:$0x0] =	wrdreg $0x60  }
0xae: {  	[dreg:$0x2] =	wrdreg s24  }
0xaf: {  	[dreg:$0x3] =	wrdreg $0xC9000  }
0xb0: {  	[dreg:$0x4] =	wrdreg $0xF1000  }
0xb1: {  	[dreg:$0x5] =	wrdreg $0x9  }
0xb2: {  	_ =	task.clear_ibuf [dreg:s6], $0x6FFFF;
	_ =	strace $0x90000046  }
0xb3: {  	s29 =	simm.s32 $0x9;
	_ =	strace $0x80000048  }
0xb4: {  	_ =	swait.ge [sflag:s29], $0x1  }
0xb5: {  	[sflag:s29] =	ssyncadd.s32 $0xFFFFFFFF  }
0xb6: {  	_ =	strace $0x90000048  }
0xb7: {  	_ =	sfence  }
0xb8: {  	s30 =	sld [smem:$0x0];
	_ =	sdelay $0x2  }
0xb9: {  	s31 =	sshll.u32 s1, $0xD;
	s1 =	sshrl.u32 s1, $0x2  }
0xba: {  	s3 =	sand.u32 $0x4000, s31;
	s1 =	sadd.s32 s1, s30  }
0xbb: {  	s0 =	sor.u32 s3, s0;
	s1 =	sshll.u32 s1, $0x11  }
0xbc: {  	s0 =	sor.u32 s1, s0  }
0xbd: {  	s0 =	sadd.s32 $0x8F2B, s0  }
0xbe: {  	[sflag:s0] =	ssyncadd.remote.s32 $0x1  }
0xbf: {  	_ =	sfence.sel $0xFFFF  }
0xc0: {  	[dreg:$0x0] =	wrdreg $0xFFFFFFFF;
	(pc) =	sbr.abs _section_cstart, $3  }
0xc1: {  	[dreg:$0x1] =	wrdreg $0xFFFFFFFF  }
0xc2: {  	_ =	task.clear_ibuf [dreg:s6], $0x2FFFF;
	_ =	strace $0x9FFFFFFF  }
0xc3: {  	(tm) =	ssettm $0x7FFFFFFF  }
tec
execute0_lowered:
.L_overlay_start_1:
0x0: {  	(tag) =	ssettag $0x1  }
0x1: {  	s0 =	rddreg [dreg:$0x0]  }
0x2: {  	s1 =	rddreg [dreg:$0x1]  }
0x3: {  	s23 =	rddreg [dreg:$0x2];
	s2 =	simm.s32 $0x0;
	s7 =	stileid.u32  }
0x4: {  	s4 =	srdreg.scid;
	s28 =	simm.s32 $0x1;
	s20 =	smul.u32 $0x9C4, s7  }
0x5: {  	s29 =	simm.s32 $0x7680;
	s30 =	simm.s32 $0x3;
	s3 =	smul.u32 $0x2800, s7  }
0x6: {  	[smem:$0x7FF] =	sst s2;
	s4 =	sand.u32 $0x1, s4;
	s19 =	smul.u32 $0x280, s7  }
0x7: {  	_ =	strace $0x80000047;
	s6 =	ssub.s32 $0x2, s4;
	p0 =	sne.s32 s4, $0x0  }
0x8: {  	s2 =	sadd.s32 s20, s0;
	s5 =	sshrl.u32 s3, $0x3;
	s20 =	sadd.s32 $0x11200, s0  }
0x9: {  	s21 =	sshrl.u32 s6, $0x1;
	s22 =	sadd.s32 $0x2800, s19;
	s25 =	sshrl.u32 s19, $0x3  }
0xa: {  	s23 =	sadd.s32 s19, s23;
	s0 =	sadd.s32 s5, s0;
	s24 =	ssub.s32 s6, s21  }
0xb: {  	s2 =	sadd.s32 $0x2400, s2;
	s5 =	sadd.s32 s3, s1;
	s6 =	sadd.s32 s19, s1  }
0xc: {  	s7 =	sadd.s32 s22, s1;
	s1 =	sadd.s32 s20, s25;
	s3 =	simm.s32 $0x4E80  }
0xd: {  	[dreg:$0x4] =	wrdreg s2;
	s8 =	sadd.s32 $0x5000, s6;
	s9 =	sadd.s32 $0x7800, s6  }
0xe: {  	s10 =	sadd.s32 $0xA000, s6;
	s11 =	sadd.s32 $0xC800, s6;
	s12 =	sadd.s32 $0xF000, s6  }
0xf: {  	s13 =	sadd.s32 $0x11800, s6;
	s14 =	sadd.s32 $0x14000, s6;
	s15 =	sadd.s32 $0x16800, s6  }
0x10: {  	s16 =	sadd.s32 $0x19000, s6;
	s17 =	sadd.s32 $0x1B800, s6;
	s2 =	sshrl.u32 s22, $0x3  }
0x11: {  	s18 =	sadd.s32 $0x1E000, s6;
	[dreg:$0x5] =	wrdreg s1;
	s21 =	sadd.s32 $0x20800, s6  }
0x12: {  	s22 =	sadd.s32 $0x23000, s6;
	s0 =	sadd.s32 $0xC200, s0;
	s31 =	smax.u32 s24, $0x1  }
0x13: {  	s1 =	simm.s32 $0xC680;
	s24 =	simm.s32 $0x0;
	[dreg:$0x7] =	wrdreg s0  }
0x14: {  	s26 =	sadd.s32 s20, s2;
	[dreg:$0x8] =	wrdreg s31;
	s0 =	simm.s32 $0xC400  }
0x15: {  	v0 =	vimm.f32 $0.0e+00;
	s2 =	simm.s32 $0x2;
	[dreg:$0x6] =	wrdreg s26;
	s26 =	sadd.s32 $0x25800, s6  }
.LBB2_1:
0x16: {  	s4 =	simm.s32 $0x0;
	s19 =	rddreg [dreg:$0x4]  }
0x17: {  	[tilespmem:s4], [sflag:$0x1] =	stream.linear.gather [hbm4b:s19+s4], $0x4E20, $0x38;
	[tilespmem:$0xF380] =	vst v63  }
0x18: {  	s4 =	simm.s32 $0x76C0  }
0x19: {  	[tilespmem:s4+$0xFFFFFFC0] =	vst v0  }
0x1a: {  	[tilespmem:s4+$0x30] =	vst v0  }
0x1b: {  	[tilespmem:s4+$0x20] =	vst v0  }
0x1c: {  	[tilespmem:s4+$0x10] =	vst v0  }
0x1d: {  	[tilespmem:s4+$0x0] =	vst v0  }
0x1e: {  	[tilespmem:s4+$0xFFFFFFF0] =	vst v0  }
0x1f: {  	s19 =	simm.s32 $0x0;
	[tilespmem:s4+$0xFFFFFFE0] =	vst v0  }
.LBB2_2:
0x20: {  	s19 =	sadd.s32 $0x8, s19;
	[tilespmem:s4+$0xFFFFFFD0] =	vst v0;
	s4 =	sadd.s32 $0x80, s4  }
0x21: {  	[tilespmem:s4+$0xFFFFFFC0] =	vst v0;
	p1 =	slt.u32 s19, $0x278  }
0x22: {  	[tilespmem:s4+$0x30] =	vst v0  }
.Ltmp0:
0x23: {  	[tilespmem:s4+$0x20] =	vst v0;
	(pc) =	sbr.rel @p1 .LBB2_2-.Ltmp0, $4  }
0x24: {  	[tilespmem:s4+$0x10] =	vst v0  }
0x25: {  	[tilespmem:s4+$0x0] =	vst v0  }
0x26: {  	[tilespmem:s4+$0xFFFFFFF0] =	vst v0  }
0x27: {  	[tilespmem:s4+$0xFFFFFFE0] =	vst v0  }
0x28: {  	[tilespmem:s4+$0xFFFFFFD0] =	vst v0  }
0x29: {  	_ =	swait.ge [sflag:s28], $0x4E20  }
0x2a: {  	[sflag:s28] =	ssyncset.done $0x0  }
0x2b: {  	s19 =	simm.s32 $0x20;
	[sflag:s28] =	ssyncadd.s32 $0xFFFFB1E0  }
0x2c: {  	v5 =	vld [tilespmem:s19+$0x10]  }
0x2d: {  	v1 =	vld [tilespmem:s19+$0xFFFFFFF0];
	_ =	sdelay $0x1  }
0x2e: {  	v4 =	vld [tilespmem:s19+$0x0]  }
0x2f: {  	v3 =	vld [tilespmem:s19+$0xFFFFFFE0]  }
0x30: {  	v2 =	vshrl.u32 v5, $0xE  }
0x31: {  	v6 =	vand.u32 $0x3FFE, v1  }
0x32: {  	s4 =	simm.s32 $0x0;
	s19 =	simm.s32 $0x60;
	v1 =	vshrl.u32 v1, $0xE;
	v5 =	vand.u32 $0x3FFE, v5;
	vm0 =	vlt.u32 v6, $0xA  }
.LBB2_4:
0x33: {  	v6 =	vld [tilespmem:s19+$0x10];
	s4 =	sadd.s32 $0x4, s4;
	v7 =	vand.u32 $0x3FFE, v4;
	v8 =	vshrl.u32 v4, $0xE;
	vm1 =	vlt.u32 v5, $0xA  }
0x34: {  	v5 =	vld [tilespmem:s19+$0xFFFFFFF0];
	p1 =	slt.u32 s4, $0x4DC;
	v4 =	vand.u32 $0x3FFE, v3;
	vm2 =	vlt.u32 v7, $0xA;
	v7 =	vsel vm1, $0x3DCCCCCD, v0  }
0x35: {  	v10 =	vsel vm0, $0x3DCCCCCD, v0;
	v9 =	vshrl.u32 v3, $0xE;
	vm1 =	vlt.u32 v4, $0xA;
	[tilespmem:v2+s29+$0x0] =	vst.idx.add.f32.msk $0xffff, v7  }
.Ltmp1:
0x36: {  	v11 =	vsel vm2, $0x3DCCCCCD, v0;
	v4 =	vld [tilespmem:s19+$0x0];
	v7 =	vsel vm1, $0x3DCCCCCD, v0;
	(pc) =	sbr.rel @p1 .LBB2_4-.Ltmp1, $4  }
0x37: {  	v3 =	vld [tilespmem:s19+$0xFFFFFFE0]  }
0x38: {  	v2 =	vshrl.u32 v6, $0xE;
	[tilespmem:v1+s29+$0x0] =	vst.idx.add.f32.msk $0xffff, v10  }
0x39: {  	v10 =	vand.u32 $0x3FFE, v5;
	v1 =	vshrl.u32 v5, $0xE;
	[tilespmem:v8+s29+$0x0] =	vst.idx.add.f32.msk $0xffff, v11  }
0x3a: {  	s19 =	sadd.s32 $0x40, s19;
	v5 =	vand.u32 $0x3FFE, v6;
	vm0 =	vlt.u32 v10, $0xA;
	[tilespmem:v9+s29+$0x0] =	vst.idx.add.f32.msk $0xffff, v7  }
0x3b: {  	_ = 	snop  }
0x3c: {  	v6 =	vshrl.u32 v4, $0xE  }
0x3d: {  	vm1 =	vlt.u32 v5, $0xA;
	v62 =	vshrl.u32 v3, $0xE  }
0x3e: {  	v63 =	vand.u32 $0x3FFE, v4;
	v7 =	vsel vm1, $0x3DCCCCCD, v0  }
0x3f: {  	vm14 =	vlt.u32 v63, $0xA;
	v3 =	vand.u32 $0x3FFE, v3;
	[tilespmem:v2+s29+$0x0] =	vst.idx.add.f32.msk $0xffff, v7;
	v2 =	vsel vm0, $0x3DCCCCCD, v0  }
0x40: {  	vm15 =	vlt.u32 v3, $0xA;
	v3 =	vsel vm14, $0x3DCCCCCD, v0;
	[tilespmem:v1+s29+$0x0] =	vst.idx.add.f32.msk $0xffff, v2  }
0x41: {  	v1 =	vsel vm15, $0x3DCCCCCD, v0;
	[tilespmem:v6+s29+$0x0] =	vst.idx.add.f32.msk $0xffff, v3  }
0x42: {  	s4 =	simm.s32 $0x0;
	[tilespmem:v62+s29+$0x0] =	vst.idx.add.f32.msk $0xffff, v1  }
.LBB2_6:
0x43: {  	s19 =	sshra.s32 s4, $0x2  }
0x44: {  	v1 =	vld [tilespmem:s19+$0x4E00];
	_ =	sdelay $0x4  }
0x45: {  	p1 =	sne.s32 s4, $0x40;
	v2 =	vshrl.u32 v1, $0xE  }
.Ltmp2:
0x46: {  	_ = 	snop;
	(pc) =	sbr.rel @p1 .LBB2_6-.Ltmp2, $4  }
0x47: {  	v1 =	vand.u32 $0x3FFE, v1  }
0x48: {  	vm0 =	vlt.u32 v1, $0xA  }
0x49: {  	v1 =	vsel vm0, $0x3DCCCCCD, v0  }
0x4a: {  	s4 =	sadd.s32 $0x40, s4;
	[tilespmem:v2+s29+$0x0] =	vst.idx.add.f32.msk $0xffff, v1  }
0x4b: {  	[spmem:s5] =	stream.linear.scatter [tilespmem:s29], [sflag:$0x3], $0x2800, $0x38;
	[tilespmem:$0xF380] =	vst v63  }
0x4c: {  	_ =	swait.ge [sflag:s30], $0x2800  }
0x4d: {  	[sflag:s30] =	ssyncset.done $0x0  }
0x4e: {  	[sflag:s30] =	ssyncadd.s32 $0xFFFFD800  }
0x4f: {  	s4 =	simm.s32 $0x9E80;
	[bflag:$0x0] =	sbarrier.arrive $0xFFFF  }
0x50: {  	[tilespmem:s4], [sflag:$0x1] =	stream.linear.gather [spmem:s6], $0x280, $0x38;
	[tilespmem:$0xF380] =	vst v63  }
0x51: {  	s19 =	simm.s32 $0xA100  }
0x52: {  	[tilespmem:s19], [sflag:$0x1] =	stream.linear.gather [spmem:s7], $0x280, $0x38;
	[tilespmem:$0xF380] =	vst v63  }
0x53: {  	s20 =	simm.s32 $0xA380  }
0x54: {  	[tilespmem:s20], [sflag:$0x1] =	stream.linear.gather [spmem:s8], $0x280, $0x38;
	[tilespmem:$0xF380] =	vst v63  }
0x55: {  	s25 =	simm.s32 $0xA600  }
0x56: {  	[tilespmem:s25], [sflag:$0x1] =	stream.linear.gather [spmem:s9], $0x280, $0x38;
	[tilespmem:$0xF380] =	vst v63  }
0x57: {  	s31 =	simm.s32 $0xA880  }
0x58: {  	[tilespmem:s31], [sflag:$0x1] =	stream.linear.gather [spmem:s10], $0x280, $0x38;
	[tilespmem:$0xF380] =	vst v63  }
0x59: {  	s19 =	simm.s32 $0xAB00  }
0x5a: {  	[tilespmem:s19], [sflag:$0x1] =	stream.linear.gather [spmem:s11], $0x280, $0x38;
	[tilespmem:$0xF380] =	vst v63  }
0x5b: {  	s20 =	simm.s32 $0xAD80  }
0x5c: {  	[tilespmem:s20], [sflag:$0x1] =	stream.linear.gather [spmem:s12], $0x280, $0x38;
	[tilespmem:$0xF380] =	vst v63  }
0x5d: {  	s25 =	simm.s32 $0xB000  }
0x5e: {  	[tilespmem:s25], [sflag:$0x1] =	stream.linear.gather [spmem:s13], $0x280, $0x38;
	[tilespmem:$0xF380] =	vst v63  }
0x5f: {  	s31 =	simm.s32 $0xB280  }
0x60: {  	[tilespmem:s31], [sflag:$0x1] =	stream.linear.gather [spmem:s14], $0x280, $0x38;
	[tilespmem:$0xF380] =	vst v63  }
0x61: {  	s19 =	simm.s32 $0xB500  }
0x62: {  	[tilespmem:s19], [sflag:$0x1] =	stream.linear.gather [spmem:s15], $0x280, $0x38;
	[tilespmem:$0xF380] =	vst v63  }
0x63: {  	s20 =	simm.s32 $0xB780  }
0x64: {  	[tilespmem:s20], [sflag:$0x1] =	stream.linear.gather [spmem:s16], $0x280, $0x38;
	[tilespmem:$0xF380] =	vst v63  }
0x65: {  	s25 =	simm.s32 $0xBA00  }
0x66: {  	[tilespmem:s25], [sflag:$0x1] =	stream.linear.gather [spmem:s17], $0x280, $0x38;
	[tilespmem:$0xF380] =	vst v63  }
0x67: {  	s31 =	simm.s32 $0xBC80  }
0x68: {  	[tilespmem:s31], [sflag:$0x1] =	stream.linear.gather [spmem:s18], $0x280, $0x38;
	[tilespmem:$0xF380] =	vst v63  }
0x69: {  	s19 =	simm.s32 $0xBF00  }
0x6a: {  	[tilespmem:s19], [sflag:$0x1] =	stream.linear.gather [spmem:s21], $0x280, $0x38;
	[tilespmem:$0xF380] =	vst v63  }
0x6b: {  	s20 =	simm.s32 $0xC180  }
0x6c: {  	[tilespmem:s20], [sflag:$0x1] =	stream.linear.gather [spmem:s22], $0x280, $0x38;
	[tilespmem:$0xF380] =	vst v63  }
0x6d: {  	_ = 	snop  }
0x6e: {  	[tilespmem:s0], [sflag:$0x1] =	stream.linear.gather [spmem:s26], $0x280, $0x38;
	[tilespmem:$0xF380] =	vst v63  }
0x6f: {  	_ =	swait.ge [sflag:s28], $0x280  }
0x70: {  	[sflag:s28] =	ssyncset.done $0x0  }
0x71: {  	[sflag:s28] =	ssyncadd.s32 $0xFFFFFD80  }
0x72: {  	_ =	swait.ge [sflag:s28], $0x280  }
0x73: {  	[sflag:s28] =	ssyncset.done $0x0  }
0x74: {  	[sflag:s28] =	ssyncadd.s32 $0xFFFFFD80  }
0x75: {  	_ =	swait.ge [sflag:s28], $0x280  }
0x76: {  	[sflag:s28] =	ssyncset.done $0x0  }
0x77: {  	[sflag:s28] =	ssyncadd.s32 $0xFFFFFD80  }
0x78: {  	_ =	swait.ge [sflag:s28], $0x280  }
0x79: {  	[sflag:s28] =	ssyncset.done $0x0  }
0x7a: {  	[sflag:s28] =	ssyncadd.s32 $0xFFFFFD80  }
0x7b: {  	_ =	swait.ge [sflag:s28], $0x280  }
0x7c: {  	[sflag:s28] =	ssyncset.done $0x0  }
0x7d: {  	[sflag:s28] =	ssyncadd.s32 $0xFFFFFD80  }
0x7e: {  	_ =	swait.ge [sflag:s28], $0x280  }
0x7f: {  	[sflag:s28] =	ssyncset.done $0x0  }
0x80: {  	[sflag:s28] =	ssyncadd.s32 $0xFFFFFD80  }
0x81: {  	_ =	swait.ge [sflag:s28], $0x280  }
0x82: {  	[sflag:s28] =	ssyncset.done $0x0  }
0x83: {  	[sflag:s28] =	ssyncadd.s32 $0xFFFFFD80  }
0x84: {  	_ =	swait.ge [sflag:s28], $0x280  }
0x85: {  	[sflag:s28] =	ssyncset.done $0x0  }
0x86: {  	[sflag:s28] =	ssyncadd.s32 $0xFFFFFD80  }
0x87: {  	_ =	swait.ge [sflag:s28], $0x280  }
0x88: {  	[sflag:s28] =	ssyncset.done $0x0  }
0x89: {  	[sflag:s28] =	ssyncadd.s32 $0xFFFFFD80  }
0x8a: {  	_ =	swait.ge [sflag:s28], $0x280  }
0x8b: {  	[sflag:s28] =	ssyncset.done $0x0  }
0x8c: {  	[sflag:s28] =	ssyncadd.s32 $0xFFFFFD80  }
0x8d: {  	_ =	swait.ge [sflag:s28], $0x280  }
0x8e: {  	[sflag:s28] =	ssyncset.done $0x0  }
0x8f: {  	[sflag:s28] =	ssyncadd.s32 $0xFFFFFD80  }
0x90: {  	_ =	swait.ge [sflag:s28], $0x280  }
0x91: {  	[sflag:s28] =	ssyncset.done $0x0  }
0x92: {  	[sflag:s28] =	ssyncadd.s32 $0xFFFFFD80  }
0x93: {  	_ =	swait.ge [sflag:s28], $0x280  }
0x94: {  	[sflag:s28] =	ssyncset.done $0x0  }
0x95: {  	[sflag:s28] =	ssyncadd.s32 $0xFFFFFD80  }
0x96: {  	_ =	swait.ge [sflag:s28], $0x280  }
0x97: {  	[sflag:s28] =	ssyncset.done $0x0  }
0x98: {  	[sflag:s28] =	ssyncadd.s32 $0xFFFFFD80  }
0x99: {  	_ =	swait.ge [sflag:s28], $0x280  }
0x9a: {  	[sflag:s28] =	ssyncset.done $0x0  }
0x9b: {  	[sflag:s28] =	ssyncadd.s32 $0xFFFFFD80  }
0x9c: {  	_ =	swait.ge [sflag:s28], $0x280  }
0x9d: {  	[sflag:s28] =	ssyncset.done $0x0  }
0x9e: {  	s25 =	simm.s32 $0xB290;
	s19 =	simm.s32 $0x0;
	[sflag:s28] =	ssyncadd.s32 $0xFFFFFD80  }
0x9f: {  	s19 =	sand.u32 $0x3E0, s19;
	v1 =	vld [tilespmem:s25+$0xFFFFEBF0]  }
0xa0: {  	v2 =	vld [tilespmem:s19+$0xA100]  }
0xa1: {  	v3 =	vld [tilespmem:s25+$0xFFFFEC00]  }
0xa2: {  	v4 =	vld [tilespmem:s19+$0xA380]  }
0xa3: {  	v5 =	vld [tilespmem:s25+$0xFFFFEE80]  }
0xa4: {  	v6 =	vld [tilespmem:s19+$0xA600]  }
0xa5: {  	v7 =	vld [tilespmem:s25+$0xFFFFF100]  }
0xa6: {  	v8 =	vld [tilespmem:s19+$0xA880]  }
0xa7: {  	v9 =	vld [tilespmem:s25+$0xFFFFF380]  }
0xa8: {  	v10 =	vld [tilespmem:s19+$0xAB00]  }
0xa9: {  	v11 =	vld [tilespmem:s25+$0xFFFFF600]  }
0xaa: {  	v12 =	vld [tilespmem:s19+$0xAD80]  }
0xab: {  	v13 =	vld [tilespmem:s25+$0xFFFFF880]  }
0xac: {  	v14 =	vld [tilespmem:s19+$0xB000]  }
0xad: {  	v15 =	vld [tilespmem:s25+$0xFFFFFB00]  }
0xae: {  	v16 =	vld [tilespmem:s19+$0xB280]  }
0xaf: {  	v17 =	vld [tilespmem:s25+$0xFFFFFD80]  }
0xb0: {  	v18 =	vld [tilespmem:s19+$0xB500]  }
0xb1: {  	v19 =	vld [tilespmem:s25+$0x0]  }
0xb2: {  	v20 =	vld [tilespmem:s19+$0xB780]  }
0xb3: {  	v21 =	vld [tilespmem:s25+$0x280]  }
0xb4: {  	v22 =	vld [tilespmem:s19+$0xBA00]  }
0xb5: {  	v23 =	vld [tilespmem:s25+$0x500]  }
0xb6: {  	v24 =	vld [tilespmem:s19+$0xBC80]  }
0xb7: {  	v25 =	vld [tilespmem:s25+$0x780]  }
0xb8: {  	v26 =	vld [tilespmem:s19+$0xBF00]  }
0xb9: {  	v27 =	vld [tilespmem:s25+$0xA00]  }
0xba: {  	v28 =	vld [tilespmem:s19+$0xC180]  }
0xbb: {  	v29 =	vld [tilespmem:s25+$0xC80]  }
0xbc: {  	v30 =	vld [tilespmem:s19+$0xC400]  }
0xbd: {  	v31 =	vld [tilespmem:s25+$0xF00]  }
0xbe: {  	s4 =	simm.s32 $0xB2B0;
	s31 =	simm.s32 $0x20;
	v32 =	vld [tilespmem:s25+$0x1180];
	v1 =	vadd.f32 v2, v1  }
0xbf: {  	s20 =	sand.u32 $0x3E0, s31;
	v2 =	vadd.f32 v5, v3;
	v3 =	vld [tilespmem:s4+$0xFFFFEBF0]  }
0xc0: {  	v5 =	vld [tilespmem:s20+$0xA100];
	v1 =	vadd.f32 v4, v1  }
0xc1: {  	v2 =	vadd.f32 v7, v2;
	v4 =	vld [tilespmem:s4+$0xFFFFEC00]  }
0xc2: {  	v7 =	vld [tilespmem:s20+$0xA380];
	v1 =	vadd.f32 v6, v1  }
0xc3: {  	v2 =	vadd.f32 v9, v2;
	v6 =	vld [tilespmem:s4+$0xFFFFEE80]  }
0xc4: {  	v55 =	vld [tilespmem:s20+$0xA600];
	v1 =	vadd.f32 v8, v1  }
0xc5: {  	v3 =	vadd.f32 v5, v3;
	v2 =	vadd.f32 v11, v2;
	v8 =	vld [tilespmem:s4+$0xFFFFF100]  }
0xc6: {  	v5 =	vld [tilespmem:s20+$0xA880];
	v1 =	vadd.f32 v10, v1  }
0xc7: {  	v56 =	vld [tilespmem:s4+$0xFFFFF380];
	v3 =	vadd.f32 v7, v3;
	v2 =	vadd.f32 v13, v2  }
0xc8: {  	v4 =	vadd.f32 v6, v4;
	v6 =	vld [tilespmem:s20+$0xAB00];
	v1 =	vadd.f32 v12, v1  }
0xc9: {  	v7 =	vld [tilespmem:s4+$0xFFFFF600];
	v3 =	vadd.f32 v55, v3;
	v2 =	vadd.f32 v15, v2  }
0xca: {  	v4 =	vadd.f32 v8, v4;
	v8 =	vld [tilespmem:s20+$0xAD80];
	v1 =	vadd.f32 v14, v1  }
0xcb: {  	v57 =	vld [tilespmem:s4+$0xFFFFF880];
	v3 =	vadd.f32 v5, v3;
	v2 =	vadd.f32 v17, v2  }
0xcc: {  	v5 =	vld [tilespmem:s20+$0xB000];
	v4 =	vadd.f32 v56, v4;
	v1 =	vadd.f32 v16, v1  }
0xcd: {  	v58 =	vld [tilespmem:s4+$0xFFFFFB00];
	v2 =	vadd.f32 v19, v2;
	v3 =	vadd.f32 v6, v3  }
0xce: {  	v6 =	vld [tilespmem:s20+$0xB280];
	v4 =	vadd.f32 v7, v4;
	v1 =	vadd.f32 v18, v1  }
0xcf: {  	v7 =	vld [tilespmem:s4+$0xFFFFFD80];
	v2 =	vadd.f32 v21, v2;
	v3 =	vadd.f32 v8, v3  }
0xd0: {  	v8 =	vld [tilespmem:s20+$0xB500];
	v4 =	vadd.f32 v57, v4;
	v1 =	vadd.f32 v20, v1  }
0xd1: {  	v59 =	vld [tilespmem:s4+$0x0];
	v2 =	vadd.f32 v23, v2;
	v3 =	vadd.f32 v5, v3  }
0xd2: {  	v5 =	vld [tilespmem:s20+$0xB780];
	v4 =	vadd.f32 v58, v4;
	v1 =	vadd.f32 v22, v1  }
0xd3: {  	v60 =	vld [tilespmem:s4+$0x280];
	v2 =	vadd.f32 v25, v2;
	v3 =	vadd.f32 v6, v3  }
0xd4: {  	v6 =	vld [tilespmem:s20+$0xBA00];
	v4 =	vadd.f32 v7, v4;
	v1 =	vadd.f32 v24, v1  }
0xd5: {  	v7 =	vld [tilespmem:s4+$0x500];
	v2 =	vadd.f32 v27, v2;
	v3 =	vadd.f32 v8, v3  }
0xd6: {  	v8 =	vld [tilespmem:s20+$0xBC80];
	v4 =	vadd.f32 v59, v4;
	v1 =	vadd.f32 v26, v1  }
0xd7: {  	v61 =	vld [tilespmem:s4+$0x780];
	v2 =	vadd.f32 v29, v2;
	v3 =	vadd.f32 v5, v3  }
0xd8: {  	v62 =	vld [tilespmem:s20+$0xBF00];
	v4 =	vadd.f32 v60, v4;
	v5 =	vadd.f32 v28, v1  }
0xd9: {  	v63 =	vld [tilespmem:s4+$0xA00];
	v2 =	vadd.f32 v31, v2;
	v3 =	vadd.f32 v6, v3  }
0xda: {  	v1 =	vld [tilespmem:s20+$0xC180];
	v4 =	vadd.f32 v7, v4;
	v5 =	vadd.f32 v30, v5  }
0xdb: {  	s19 =	simm.s32 $0xC690;
	v6 =	vadd.f32 v32, v2;
	v2 =	vld [tilespmem:s4+$0xC80];
	v7 =	vadd.f32 v8, v3  }
0xdc: {  	v3 =	vld [tilespmem:s20+$0xC400];
	v4 =	vadd.f32 v61, v4;
	[tilespmem:s19+$0xFFFFFFF0] =	vst v5  }
0xdd: {  	v5 =	vld [tilespmem:s4+$0xF00];
	[tilespmem:s19+$0x0] =	vst v6;
	v6 =	vadd.f32 v62, v7  }
0xde: {  	s25 =	simm.s32 $0x2;
	s20 =	simm.s32 $0x40;
	v7 =	vadd.f32 v63, v4;
	v4 =	vld [tilespmem:s4+$0x1180];
	s4 =	simm.s32 $0xB2D0  }
.LBB2_8:
0xdf: {  	v8 =	vld [tilespmem:s4+$0xFFFFEBF0];
	s31 =	sand.u32 $0x3E0, s20;
	s25 =	sadd.s32 $0x2, s25;
	v1 =	vadd.f32 v1, v6  }
0xe0: {  	v6 =	vld [tilespmem:s31+$0xA100];
	p1 =	slt.u32 s25, $0x26;
	v2 =	vadd.f32 v2, v7  }
0xe1: {  	v7 =	vld [tilespmem:s4+$0xFFFFEC00];
	v1 =	vadd.f32 v3, v1  }
0xe2: {  	s19 =	sadd.s32 $0x20, s19;
	v3 =	vld [tilespmem:s31+$0xA380];
	v2 =	vadd.f32 v5, v2  }
0xe3: {  	v5 =	vld [tilespmem:s4+$0xFFFFEE80];
	[tilespmem:s19+$0xFFFFFFF0] =	vst v1  }
0xe4: {  	v1 =	vld [tilespmem:s31+$0xA600];
	v2 =	vadd.f32 v4, v2  }
0xe5: {  	v4 =	vadd.f32 v6, v8;
	v6 =	vld [tilespmem:s4+$0xFFFFF100]  }
0xe6: {  	v8 =	vld [tilespmem:s31+$0xA880];
	[tilespmem:s19+$0x0] =	vst v2  }
0xe7: {  	v2 =	vadd.f32 v3, v4;
	v3 =	vld [tilespmem:s4+$0xFFFFF380]  }
0xe8: {  	v4 =	vld [tilespmem:s31+$0xAB00];
	v5 =	vadd.f32 v5, v7  }
0xe9: {  	v1 =	vadd.f32 v1, v2;
	v2 =	vld [tilespmem:s4+$0xFFFFF600]  }
0xea: {  	v7 =	vld [tilespmem:s31+$0xAD80];
	v5 =	vadd.f32 v6, v5  }
0xeb: {  	v1 =	vadd.f32 v8, v1;
	v6 =	vld [tilespmem:s4+$0xFFFFF880]  }
0xec: {  	v8 =	vld [tilespmem:s31+$0xB000];
	v3 =	vadd.f32 v3, v5  }
0xed: {  	v1 =	vadd.f32 v4, v1;
	v4 =	vld [tilespmem:s4+$0xFFFFFB00]  }
0xee: {  	v5 =	vld [tilespmem:s31+$0xB280];
	v2 =	vadd.f32 v2, v3  }
0xef: {  	v1 =	vadd.f32 v7, v1;
	v3 =	vld [tilespmem:s4+$0xFFFFFD80]  }
0xf0: {  	v7 =	vld [tilespmem:s31+$0xB500];
	v2 =	vadd.f32 v6, v2  }
0xf1: {  	v1 =	vadd.f32 v8, v1;
	v6 =	vld [tilespmem:s4+$0x0]  }
0xf2: {  	v8 =	vld [tilespmem:s31+$0xB780];
	v2 =	vadd.f32 v4, v2  }
0xf3: {  	v1 =	vadd.f32 v5, v1;
	v4 =	vld [tilespmem:s4+$0x280]  }
0xf4: {  	v5 =	vld [tilespmem:s31+$0xBA00];
	v2 =	vadd.f32 v3, v2  }
0xf5: {  	v1 =	vadd.f32 v7, v1;
	v3 =	vld [tilespmem:s4+$0x500]  }
0xf6: {  	v7 =	vld [tilespmem:s31+$0xBC80];
	v2 =	vadd.f32 v6, v2  }
0xf7: {  	v1 =	vadd.f32 v8, v1;
	v6 =	vld [tilespmem:s4+$0x780]  }
0xf8: {  	v8 =	vld [tilespmem:s31+$0xBF00];
	v2 =	vadd.f32 v4, v2  }
0xf9: {  	v4 =	vadd.f32 v5, v1;
	v9 =	vld [tilespmem:s4+$0xA00]  }
.Ltmp3:
0xfa: {  	v1 =	vld [tilespmem:s31+$0xC180];
	v5 =	vadd.f32 v3, v2;
	(pc) =	sbr.rel @p1 .LBB2_8-.Ltmp3, $4  }
0xfb: {  	v4 =	vadd.f32 v7, v4;
	v2 =	vld [tilespmem:s4+$0xC80]  }
0xfc: {  	v3 =	vld [tilespmem:s31+$0xC400];
	v7 =	vadd.f32 v6, v5  }
0xfd: {  	v6 =	vadd.f32 v8, v4;
	v5 =	vld [tilespmem:s4+$0xF00]  }
0xfe: {  	s20 =	sadd.s32 $0x20, s20;
	v7 =	vadd.f32 v9, v7;
	v4 =	vld [tilespmem:s4+$0x1180];
	s4 =	sadd.s32 $0x20, s4  }
0xff: {  	_ = 	snop  }
0x100: {  	v2 =	vadd.f32 v2, v7  }
0x101: {  	v1 =	vadd.f32 v1, v6  }
0x102: {  	v2 =	vadd.f32 v5, v2  }
0x103: {  	v1 =	vadd.f32 v3, v1  }
0x104: {  	s4 =	sadd.s32 $0x20, s19;
	v2 =	vadd.f32 v4, v2  }
0x105: {  	[tilespmem:s4+$0xFFFFFFF0] =	vst v1  }
0x106: {  	[tilespmem:s4+$0x0] =	vst v2  }
0x107: {  	s19 =	simm.s32 @!p0 $0xC680;
	s4 =	simm.s32 @!p0 $0x0;
	s20 =	rddreg [dreg:$0x5]  }
0x108: {  	[hbm4b:s20+s4] =	stream.linear.scatter @!p0 [tilespmem:s19], [sflag:$0x3], $0x280, $0x38;
	[tilespmem:$0xF380] =	vst v63  }
0x109: {  	s4 =	simm.s32 @!p0 $0x3  }
0x10a: {  	_ =	swait.ge @!p0 [sflag:s4], $0x280  }
0x10b: {  	[sflag:s4] =	ssyncset.done @!p0 $0x0  }
0x10c: {  	[sflag:s4] =	ssyncadd.s32 @!p0 $0xFFFFFD80  }
0x10d: {  	[spmem:s23] =	stream.linear.scatter [tilespmem:s1], [sflag:$0x3], $0x280, $0x38;
	[tilespmem:$0xF380] =	vst v63  }
0x10e: {  	_ =	swait.ge [sflag:s30], $0x280  }
0x10f: {  	[sflag:s30] =	ssyncset.done $0x0  }
0x110: {  	[sflag:s30] =	ssyncadd.s32 $0xFFFFFD80  }
0x111: {  	[bflag:$0x0] =	sbarrier.arrive $0xFFFF  }
0x112: {  	s4 =	simm.s32 $0x76C0;
	s31 =	rddreg [dreg:$0x2]  }
0x113: {  	[tilespmem:s3], [sflag:$0x2] =	stream.linear.gather [spmem:s31], $0x2800, $0x38;
	[tilespmem:$0xF380] =	vst v63  }
0x114: {  	[tilespmem:s4+$0xFFFFFFC0] =	vst v0  }
0x115: {  	[tilespmem:s4+$0x30] =	vst v0  }
0x116: {  	[tilespmem:s4+$0x20] =	vst v0  }
0x117: {  	[tilespmem:s4+$0x10] =	vst v0  }
0x118: {  	[tilespmem:s4+$0x0] =	vst v0  }
0x119: {  	[tilespmem:s4+$0xFFFFFFF0] =	vst v0  }
0x11a: {  	s19 =	simm.s32 $0x0;
	[tilespmem:s4+$0xFFFFFFE0] =	vst v0  }
.LBB2_10:
0x11b: {  	s19 =	sadd.s32 $0x8, s19;
	[tilespmem:s4+$0xFFFFFFD0] =	vst v0;
	s4 =	sadd.s32 $0x80, s4  }
0x11c: {  	[tilespmem:s4+$0xFFFFFFC0] =	vst v0;
	p1 =	slt.u32 s19, $0x278  }
0x11d: {  	[tilespmem:s4+$0x30] =	vst v0  }
.Ltmp4:
0x11e: {  	[tilespmem:s4+$0x20] =	vst v0;
	(pc) =	sbr.rel @p1 .LBB2_10-.Ltmp4, $4  }
0x11f: {  	[tilespmem:s4+$0x10] =	vst v0  }
0x120: {  	[tilespmem:s4+$0x0] =	vst v0  }
0x121: {  	[tilespmem:s4+$0xFFFFFFF0] =	vst v0  }
0x122: {  	[tilespmem:s4+$0xFFFFFFE0] =	vst v0  }
0x123: {  	[tilespmem:s4+$0xFFFFFFD0] =	vst v0  }
0x124: {  	_ =	swait.ge [sflag:s2], $0x2800  }
0x125: {  	[sflag:s2] =	ssyncset.done $0x0  }
0x126: {  	s25 =	simm.s32 $0x20;
	[sflag:s2] =	ssyncadd.s32 $0xFFFFD800  }
0x127: {  	v1 =	vld [tilespmem:s25+$0x10]  }
0x128: {  	v2 =	vld [tilespmem:s25+$0xFFFFFFF0];
	_ =	sdelay $0x1  }
0x129: {  	v4 =	vld [tilespmem:s25+$0xFFFFFFE0]  }
0x12a: {  	v5 =	vld [tilespmem:s25+$0x0]  }
0x12b: {  	v3 =	vand.u32 $0x3FFF, v1  }
0x12c: {  	s31 =	simm.s32 $0x60;
	v6 =	vand.u32 $0x3FFF, v2  }
0x12d: {  	v12 =	vld [tilespmem:s31+$0x10]  }
0x12e: {  	v9 =	vld [tilespmem:s31+$0xFFFFFFF0];
	v7 =	vand.u32 $0x3FFF, v4  }
0x12f: {  	v13 =	vld [tilespmem:s31+$0xFFFFFFE0];
	v10 =	vand.u32 $0x3FFF, v5  }
0x130: {  	v1 =	vshrl.u32 v1, $0xE;
	v3 =	vld.idx.msk [tilespmem:v3+s3+$0x0], $0xffff  }
0x131: {  	v2 =	vshrl.u32 v2, $0xE;
	v6 =	vld.idx.msk [tilespmem:v6+s3+$0x0], $0xffff  }
0x132: {  	v11 =	vld [tilespmem:s31+$0x0];
	v14 =	vand.u32 $0x3FFF, v12  }
0x133: {  	v15 =	vand.u32 $0x3FFF, v9;
	v8 =	vld.idx.msk [tilespmem:v7+s3+$0x0], $0xffff  }
0x134: {  	v7 =	vld.idx.msk [tilespmem:v10+s3+$0x0], $0xffff  }
0x135: {  	[tilespmem:v1+s29+$0x0] =	vst.idx.add.f32.msk $0xffff, v3  }
0x136: {  	v12 =	vshrl.u32 v12, $0xE;
	v10 =	vand.u32 $0x3FFF, v13;
	[tilespmem:v2+s29+$0x0] =	vst.idx.add.f32.msk $0xffff, v6  }
0x137: {  	v1 =	vshrl.u32 v5, $0xE;
	v2 =	vshrl.u32 v11, $0xE;
	v6 =	vand.u32 $0x3FFF, v11;
	v11 =	vld.idx.msk [tilespmem:v14+s3+$0x0], $0xffff  }
0x138: {  	s4 =	simm.s32 $0x4;
	s19 =	simm.s32 $0xA0;
	v3 =	vshrl.u32 v4, $0xE;
	v4 =	vshrl.u32 v9, $0xE;
	v5 =	vshrl.u32 v13, $0xE;
	v9 =	vld.idx.msk [tilespmem:v15+s3+$0x0], $0xffff  }
.LBB2_12:
0x139: {  	v13 =	vld [tilespmem:s19+$0x10];
	s4 =	sadd.s32 $0x4, s4;
	v14 =	vmov v7  }
0x13a: {  	v7 =	vld [tilespmem:s19+$0xFFFFFFF0];
	p1 =	slt.u32 s4, $0x4DC  }
0x13b: {  	v15 =	vld [tilespmem:s19+$0x0]  }
0x13c: {  	v16 =	vld [tilespmem:s19+$0xFFFFFFE0]  }
0x13d: {  	[tilespmem:v12+s29+$0x0] =	vst.idx.add.f32.msk $0xffff, v11  }
0x13e: {  	v11 =	vand.u32 $0x3FFF, v13;
	v17 =	vld.idx.msk [tilespmem:v10+s3+$0x0], $0xffff  }
0x13f: {  	v12 =	vshrl.u32 v7, $0xE;
	v18 =	vand.u32 $0x3FFF, v7;
	v7 =	vld.idx.msk [tilespmem:v6+s3+$0x0], $0xffff  }
.Ltmp5:
0x140: {  	v19 =	vshrl.u32 v15, $0xE;
	v6 =	vand.u32 $0x3FFF, v15;
	[tilespmem:v3+s29+$0x0] =	vst.idx.add.f32.msk $0xffff, v8;
	v3 =	vmov v5;
	(pc) =	sbr.rel @p1 .LBB2_12-.Ltmp5, $4  }
0x141: {  	v5 =	vshrl.u32 v16, $0xE;
	v10 =	vand.u32 $0x3FFF, v16;
	[tilespmem:v4+s29+$0x0] =	vst.idx.add.f32.msk $0xffff, v9;
	v4 =	vmov v12  }
0x142: {  	[tilespmem:v1+s29+$0x0] =	vst.idx.add.f32.msk $0xffff, v14;
	v1 =	vmov v2;
	v2 =	vmov v19  }
0x143: {  	v11 =	vld.idx.msk [tilespmem:v11+s3+$0x0], $0xffff  }
0x144: {  	s19 =	sadd.s32 $0x40, s19;
	v12 =	vshrl.u32 v13, $0xE;
	v8 =	vmov v17;
	v9 =	vld.idx.msk [tilespmem:v18+s3+$0x0], $0xffff  }
0x145: {  	_ =	sdelay $0x3  }
0x146: {  	v10 =	vld.idx.msk [tilespmem:v10+s3+$0x0], $0xffff  }
0x147: {  	v6 =	vld.idx.msk [tilespmem:v6+s3+$0x0], $0xffff  }
0x148: {  	[tilespmem:v3+s29+$0x0] =	vst.idx.add.f32.msk $0xffff, v8  }
0x149: {  	[tilespmem:v1+s29+$0x0] =	vst.idx.add.f32.msk $0xffff, v7  }
0x14a: {  	[tilespmem:v12+s29+$0x0] =	vst.idx.add.f32.msk $0xffff, v11  }
0x14b: {  	[tilespmem:v4+s29+$0x0] =	vst.idx.add.f32.msk $0xffff, v9  }
0x14c: {  	[tilespmem:v5+s29+$0x0] =	vst.idx.add.f32.msk $0xffff, v10  }
0x14d: {  	s4 =	simm.s32 $0x0;
	[tilespmem:v2+s29+$0x0] =	vst.idx.add.f32.msk $0xffff, v6  }
.LBB2_14:
0x14e: {  	s19 =	sshra.s32 s4, $0x2  }
0x14f: {  	v1 =	vld [tilespmem:s19+$0x4E00];
	_ =	sdelay $0x4  }
0x150: {  	v2 =	vand.u32 $0x3FFF, v1;
	_ =	sdelay $0x4  }
0x151: {  	p1 =	sne.s32 s4, $0x40;
	v1 =	vshrl.u32 v1, $0xE;
	v2 =	vld.idx.msk [tilespmem:v2+s3+$0x0], $0xffff  }
.Ltmp6:
0x152: {  	_ = 	snop;
	(pc) =	sbr.rel @p1 .LBB2_14-.Ltmp6, $2  }
0x153: {  	_ =	sdelay $0x2  }
0x154: {  	s4 =	sadd.s32 $0x40, s4;
	[tilespmem:v1+s29+$0x0] =	vst.idx.add.f32.msk $0xffff, v2  }
0x155: {  	[spmem:s5] =	stream.linear.scatter [tilespmem:s29], [sflag:$0x3], $0x2800, $0x38;
	[tilespmem:$0xF380] =	vst v63  }
0x156: {  	_ =	swait.ge [sflag:s30], $0x2800  }
0x157: {  	[sflag:s30] =	ssyncset.done $0x0  }
0x158: {  	[sflag:s30] =	ssyncadd.s32 $0xFFFFD800  }
0x159: {  	s4 =	simm.s32 $0x9E80;
	[bflag:$0x0] =	sbarrier.arrive $0xFFFF  }
0x15a: {  	[tilespmem:s4], [sflag:$0x1] =	stream.linear.gather [spmem:s6], $0x280, $0x38;
	[tilespmem:$0xF380] =	vst v63  }
0x15b: {  	s19 =	simm.s32 $0xA100  }
0x15c: {  	[tilespmem:s19], [sflag:$0x1] =	stream.linear.gather [spmem:s7], $0x280, $0x38;
	[tilespmem:$0xF380] =	vst v63  }
0x15d: {  	s20 =	simm.s32 $0xA380  }
0x15e: {  	[tilespmem:s20], [sflag:$0x1] =	stream.linear.gather [spmem:s8], $0x280, $0x38;
	[tilespmem:$0xF380] =	vst v63  }
0x15f: {  	s25 =	simm.s32 $0xA600  }
0x160: {  	[tilespmem:s25], [sflag:$0x1] =	stream.linear.gather [spmem:s9], $0x280, $0x38;
	[tilespmem:$0xF380] =	vst v63  }
0x161: {  	s31 =	simm.s32 $0xA880  }
0x162: {  	[tilespmem:s31], [sflag:$0x1] =	stream.linear.gather [spmem:s10], $0x280, $0x38;
	[tilespmem:$0xF380] =	vst v63  }
0x163: {  	s19 =	simm.s32 $0xAB00  }
0x164: {  	[tilespmem:s19], [sflag:$0x1] =	stream.linear.gather [spmem:s11], $0x280, $0x38;
	[tilespmem:$0xF380] =	vst v63  }
0x165: {  	s20 =	simm.s32 $0xAD80  }
0x166: {  	[tilespmem:s20], [sflag:$0x1] =	stream.linear.gather [spmem:s12], $0x280, $0x38;
	[tilespmem:$0xF380] =	vst v63  }
0x167: {  	s25 =	simm.s32 $0xB000  }
0x168: {  	[tilespmem:s25], [sflag:$0x1] =	stream.linear.gather [spmem:s13], $0x280, $0x38;
	[tilespmem:$0xF380] =	vst v63  }
0x169: {  	s31 =	simm.s32 $0xB280  }
0x16a: {  	[tilespmem:s31], [sflag:$0x1] =	stream.linear.gather [spmem:s14], $0x280, $0x38;
	[tilespmem:$0xF380] =	vst v63  }
0x16b: {  	s19 =	simm.s32 $0xB500  }
0x16c: {  	[tilespmem:s19], [sflag:$0x1] =	stream.linear.gather [spmem:s15], $0x280, $0x38;
	[tilespmem:$0xF380] =	vst v63  }
0x16d: {  	s20 =	simm.s32 $0xB780  }
0x16e: {  	[tilespmem:s20], [sflag:$0x1] =	stream.linear.gather [spmem:s16], $0x280, $0x38;
	[tilespmem:$0xF380] =	vst v63  }
0x16f: {  	s25 =	simm.s32 $0xBA00  }
0x170: {  	[tilespmem:s25], [sflag:$0x1] =	stream.linear.gather [spmem:s17], $0x280, $0x38;
	[tilespmem:$0xF380] =	vst v63  }
0x171: {  	s31 =	simm.s32 $0xBC80  }
0x172: {  	[tilespmem:s31], [sflag:$0x1] =	stream.linear.gather [spmem:s18], $0x280, $0x38;
	[tilespmem:$0xF380] =	vst v63  }
0x173: {  	s19 =	simm.s32 $0xBF00  }
0x174: {  	[tilespmem:s19], [sflag:$0x1] =	stream.linear.gather [spmem:s21], $0x280, $0x38;
	[tilespmem:$0xF380] =	vst v63  }
0x175: {  	s20 =	simm.s32 $0xC180  }
0x176: {  	[tilespmem:s20], [sflag:$0x1] =	stream.linear.gather [spmem:s22], $0x280, $0x38;
	[tilespmem:$0xF380] =	vst v63  }
0x177: {  	_ = 	snop  }
0x178: {  	[tilespmem:s0], [sflag:$0x1] =	stream.linear.gather [spmem:s26], $0x280, $0x38;
	[tilespmem:$0xF380] =	vst v63  }
0x179: {  	_ =	swait.ge [sflag:s28], $0x280  }
0x17a: {  	[sflag:s28] =	ssyncset.done $0x0  }
0x17b: {  	[sflag:s28] =	ssyncadd.s32 $0xFFFFFD80  }
0x17c: {  	_ =	swait.ge [sflag:s28], $0x280  }
0x17d: {  	[sflag:s28] =	ssyncset.done $0x0  }
0x17e: {  	[sflag:s28] =	ssyncadd.s32 $0xFFFFFD80  }
0x17f: {  	_ =	swait.ge [sflag:s28], $0x280  }
0x180: {  	[sflag:s28] =	ssyncset.done $0x0  }
0x181: {  	[sflag:s28] =	ssyncadd.s32 $0xFFFFFD80  }
0x182: {  	_ =	swait.ge [sflag:s28], $0x280  }
0x183: {  	[sflag:s28] =	ssyncset.done $0x0  }
0x184: {  	[sflag:s28] =	ssyncadd.s32 $0xFFFFFD80  }
0x185: {  	_ =	swait.ge [sflag:s28], $0x280  }
0x186: {  	[sflag:s28] =	ssyncset.done $0x0  }
0x187: {  	[sflag:s28] =	ssyncadd.s32 $0xFFFFFD80  }
0x188: {  	_ =	swait.ge [sflag:s28], $0x280  }
0x189: {  	[sflag:s28] =	ssyncset.done $0x0  }
0x18a: {  	[sflag:s28] =	ssyncadd.s32 $0xFFFFFD80  }
0x18b: {  	_ =	swait.ge [sflag:s28], $0x280  }
0x18c: {  	[sflag:s28] =	ssyncset.done $0x0  }
0x18d: {  	[sflag:s28] =	ssyncadd.s32 $0xFFFFFD80  }
0x18e: {  	_ =	swait.ge [sflag:s28], $0x280  }
0x18f: {  	[sflag:s28] =	ssyncset.done $0x0  }
0x190: {  	[sflag:s28] =	ssyncadd.s32 $0xFFFFFD80  }
0x191: {  	_ =	swait.ge [sflag:s28], $0x280  }
0x192: {  	[sflag:s28] =	ssyncset.done $0x0  }
0x193: {  	[sflag:s28] =	ssyncadd.s32 $0xFFFFFD80  }
0x194: {  	_ =	swait.ge [sflag:s28], $0x280  }
0x195: {  	[sflag:s28] =	ssyncset.done $0x0  }
0x196: {  	[sflag:s28] =	ssyncadd.s32 $0xFFFFFD80  }
0x197: {  	_ =	swait.ge [sflag:s28], $0x280  }
0x198: {  	[sflag:s28] =	ssyncset.done $0x0  }
0x199: {  	[sflag:s28] =	ssyncadd.s32 $0xFFFFFD80  }
0x19a: {  	_ =	swait.ge [sflag:s28], $0x280  }
0x19b: {  	[sflag:s28] =	ssyncset.done $0x0  }
0x19c: {  	[sflag:s28] =	ssyncadd.s32 $0xFFFFFD80  }
0x19d: {  	_ =	swait.ge [sflag:s28], $0x280  }
0x19e: {  	[sflag:s28] =	ssyncset.done $0x0  }
0x19f: {  	[sflag:s28] =	ssyncadd.s32 $0xFFFFFD80  }
0x1a0: {  	_ =	swait.ge [sflag:s28], $0x280  }
0x1a1: {  	[sflag:s28] =	ssyncset.done $0x0  }
0x1a2: {  	[sflag:s28] =	ssyncadd.s32 $0xFFFFFD80  }
0x1a3: {  	_ =	swait.ge [sflag:s28], $0x280  }
0x1a4: {  	[sflag:s28] =	ssyncset.done $0x0  }
0x1a5: {  	[sflag:s28] =	ssyncadd.s32 $0xFFFFFD80  }
0x1a6: {  	_ =	swait.ge [sflag:s28], $0x280  }
0x1a7: {  	[sflag:s28] =	ssyncset.done $0x0  }
0x1a8: {  	s25 =	simm.s32 $0xB290;
	s19 =	simm.s32 $0x0;
	[sflag:s28] =	ssyncadd.s32 $0xFFFFFD80  }
0x1a9: {  	s19 =	sand.u32 $0x3E0, s19;
	v1 =	vld [tilespmem:s25+$0xFFFFEBF0]  }
0x1aa: {  	v2 =	vld [tilespmem:s19+$0xA100]  }
0x1ab: {  	v3 =	vld [tilespmem:s25+$0xFFFFEC00]  }
0x1ac: {  	v4 =	vld [tilespmem:s19+$0xA380]  }
0x1ad: {  	v5 =	vld [tilespmem:s25+$0xFFFFEE80]  }
0x1ae: {  	v6 =	vld [tilespmem:s19+$0xA600]  }
0x1af: {  	v7 =	vld [tilespmem:s25+$0xFFFFF100]  }
0x1b0: {  	v8 =	vld [tilespmem:s19+$0xA880]  }
0x1b1: {  	v9 =	vld [tilespmem:s25+$0xFFFFF380]  }
0x1b2: {  	v10 =	vld [tilespmem:s19+$0xAB00]  }
0x1b3: {  	v11 =	vld [tilespmem:s25+$0xFFFFF600]  }
0x1b4: {  	v12 =	vld [tilespmem:s19+$0xAD80]  }
0x1b5: {  	v13 =	vld [tilespmem:s25+$0xFFFFF880]  }
0x1b6: {  	v14 =	vld [tilespmem:s19+$0xB000]  }
0x1b7: {  	v15 =	vld [tilespmem:s25+$0xFFFFFB00]  }
0x1b8: {  	v16 =	vld [tilespmem:s19+$0xB280]  }
0x1b9: {  	v17 =	vld [tilespmem:s25+$0xFFFFFD80]  }
0x1ba: {  	v18 =	vld [tilespmem:s19+$0xB500]  }
0x1bb: {  	v19 =	vld [tilespmem:s25+$0x0]  }
0x1bc: {  	v20 =	vld [tilespmem:s19+$0xB780]  }
0x1bd: {  	v21 =	vld [tilespmem:s25+$0x280]  }
0x1be: {  	v22 =	vld [tilespmem:s19+$0xBA00]  }
0x1bf: {  	v23 =	vld [tilespmem:s25+$0x500]  }
0x1c0: {  	v24 =	vld [tilespmem:s19+$0xBC80]  }
0x1c1: {  	v25 =	vld [tilespmem:s25+$0x780]  }
0x1c2: {  	v26 =	vld [tilespmem:s19+$0xBF00]  }
0x1c3: {  	v27 =	vld [tilespmem:s25+$0xA00]  }
0x1c4: {  	v28 =	vld [tilespmem:s19+$0xC180]  }
0x1c5: {  	v29 =	vld [tilespmem:s25+$0xC80]  }
0x1c6: {  	v30 =	vld [tilespmem:s19+$0xC400]  }
0x1c7: {  	v31 =	vld [tilespmem:s25+$0xF00]  }
0x1c8: {  	s4 =	simm.s32 $0xB2B0;
	s31 =	simm.s32 $0x20;
	v32 =	vld [tilespmem:s25+$0x1180];
	v1 =	vadd.f32 v2, v1  }
0x1c9: {  	s20 =	sand.u32 $0x3E0, s31;
	v2 =	vadd.f32 v5, v3;
	v3 =	vld [tilespmem:s4+$0xFFFFEBF0]  }
0x1ca: {  	v5 =	vld [tilespmem:s20+$0xA100];
	v1 =	vadd.f32 v4, v1  }
0x1cb: {  	v2 =	vadd.f32 v7, v2;
	v4 =	vld [tilespmem:s4+$0xFFFFEC00]  }
0x1cc: {  	v7 =	vld [tilespmem:s20+$0xA380];
	v1 =	vadd.f32 v6, v1  }
0x1cd: {  	v2 =	vadd.f32 v9, v2;
	v6 =	vld [tilespmem:s4+$0xFFFFEE80]  }
0x1ce: {  	v55 =	vld [tilespmem:s20+$0xA600];
	v1 =	vadd.f32 v8, v1  }
0x1cf: {  	v3 =	vadd.f32 v5, v3;
	v2 =	vadd.f32 v11, v2;
	v8 =	vld [tilespmem:s4+$0xFFFFF100]  }
0x1d0: {  	v5 =	vld [tilespmem:s20+$0xA880];
	v1 =	vadd.f32 v10, v1  }
0x1d1: {  	v56 =	vld [tilespmem:s4+$0xFFFFF380];
	v3 =	vadd.f32 v7, v3;
	v2 =	vadd.f32 v13, v2  }
0x1d2: {  	v4 =	vadd.f32 v6, v4;
	v6 =	vld [tilespmem:s20+$0xAB00];
	v1 =	vadd.f32 v12, v1  }
0x1d3: {  	v7 =	vld [tilespmem:s4+$0xFFFFF600];
	v3 =	vadd.f32 v55, v3;
	v2 =	vadd.f32 v15, v2  }
0x1d4: {  	v4 =	vadd.f32 v8, v4;
	v8 =	vld [tilespmem:s20+$0xAD80];
	v1 =	vadd.f32 v14, v1  }
0x1d5: {  	v57 =	vld [tilespmem:s4+$0xFFFFF880];
	v3 =	vadd.f32 v5, v3;
	v2 =	vadd.f32 v17, v2  }
0x1d6: {  	v5 =	vld [tilespmem:s20+$0xB000];
	v4 =	vadd.f32 v56, v4;
	v1 =	vadd.f32 v16, v1  }
0x1d7: {  	v58 =	vld [tilespmem:s4+$0xFFFFFB00];
	v2 =	vadd.f32 v19, v2;
	v3 =	vadd.f32 v6, v3  }
0x1d8: {  	v6 =	vld [tilespmem:s20+$0xB280];
	v4 =	vadd.f32 v7, v4;
	v1 =	vadd.f32 v18, v1  }
0x1d9: {  	v7 =	vld [tilespmem:s4+$0xFFFFFD80];
	v2 =	vadd.f32 v21, v2;
	v3 =	vadd.f32 v8, v3  }
0x1da: {  	v8 =	vld [tilespmem:s20+$0xB500];
	v4 =	vadd.f32 v57, v4;
	v1 =	vadd.f32 v20, v1  }
0x1db: {  	v59 =	vld [tilespmem:s4+$0x0];
	v2 =	vadd.f32 v23, v2;
	v3 =	vadd.f32 v5, v3  }
0x1dc: {  	v5 =	vld [tilespmem:s20+$0xB780];
	v4 =	vadd.f32 v58, v4;
	v1 =	vadd.f32 v22, v1  }
0x1dd: {  	v60 =	vld [tilespmem:s4+$0x280];
	v2 =	vadd.f32 v25, v2;
	v3 =	vadd.f32 v6, v3  }
0x1de: {  	v6 =	vld [tilespmem:s20+$0xBA00];
	v4 =	vadd.f32 v7, v4;
	v1 =	vadd.f32 v24, v1  }
0x1df: {  	v7 =	vld [tilespmem:s4+$0x500];
	v2 =	vadd.f32 v27, v2;
	v3 =	vadd.f32 v8, v3  }
0x1e0: {  	v8 =	vld [tilespmem:s20+$0xBC80];
	v4 =	vadd.f32 v59, v4;
	v1 =	vadd.f32 v26, v1  }
0x1e1: {  	v61 =	vld [tilespmem:s4+$0x780];
	v2 =	vadd.f32 v29, v2;
	v3 =	vadd.f32 v5, v3  }
0x1e2: {  	v62 =	vld [tilespmem:s20+$0xBF00];
	v4 =	vadd.f32 v60, v4;
	v5 =	vadd.f32 v28, v1  }
0x1e3: {  	v63 =	vld [tilespmem:s4+$0xA00];
	v2 =	vadd.f32 v31, v2;
	v3 =	vadd.f32 v6, v3  }
0x1e4: {  	v1 =	vld [tilespmem:s20+$0xC180];
	v4 =	vadd.f32 v7, v4;
	v5 =	vadd.f32 v30, v5  }
0x1e5: {  	s19 =	simm.s32 $0xC690;
	v6 =	vadd.f32 v32, v2;
	v2 =	vld [tilespmem:s4+$0xC80];
	v7 =	vadd.f32 v8, v3  }
0x1e6: {  	v3 =	vld [tilespmem:s20+$0xC400];
	v4 =	vadd.f32 v61, v4;
	[tilespmem:s19+$0xFFFFFFF0] =	vst v5  }
0x1e7: {  	v5 =	vld [tilespmem:s4+$0xF00];
	[tilespmem:s19+$0x0] =	vst v6;
	v6 =	vadd.f32 v62, v7  }
0x1e8: {  	s25 =	simm.s32 $0x2;
	s20 =	simm.s32 $0x40;
	v7 =	vadd.f32 v63, v4;
	v4 =	vld [tilespmem:s4+$0x1180];
	s4 =	simm.s32 $0xB2D0  }
.LBB2_16:
0x1e9: {  	v8 =	vld [tilespmem:s4+$0xFFFFEBF0];
	s31 =	sand.u32 $0x3E0, s20;
	s25 =	sadd.s32 $0x2, s25;
	v1 =	vadd.f32 v1, v6  }
0x1ea: {  	v6 =	vld [tilespmem:s31+$0xA100];
	p1 =	slt.u32 s25, $0x26;
	v2 =	vadd.f32 v2, v7  }
0x1eb: {  	v7 =	vld [tilespmem:s4+$0xFFFFEC00];
	v1 =	vadd.f32 v3, v1  }
0x1ec: {  	s19 =	sadd.s32 $0x20, s19;
	v3 =	vld [tilespmem:s31+$0xA380];
	v2 =	vadd.f32 v5, v2  }
0x1ed: {  	v5 =	vld [tilespmem:s4+$0xFFFFEE80];
	[tilespmem:s19+$0xFFFFFFF0] =	vst v1  }
0x1ee: {  	v1 =	vld [tilespmem:s31+$0xA600];
	v2 =	vadd.f32 v4, v2  }
0x1ef: {  	v4 =	vadd.f32 v6, v8;
	v6 =	vld [tilespmem:s4+$0xFFFFF100]  }
0x1f0: {  	v8 =	vld [tilespmem:s31+$0xA880];
	[tilespmem:s19+$0x0] =	vst v2  }
0x1f1: {  	v2 =	vadd.f32 v3, v4;
	v3 =	vld [tilespmem:s4+$0xFFFFF380]  }
0x1f2: {  	v4 =	vld [tilespmem:s31+$0xAB00];
	v5 =	vadd.f32 v5, v7  }
0x1f3: {  	v1 =	vadd.f32 v1, v2;
	v2 =	vld [tilespmem:s4+$0xFFFFF600]  }
0x1f4: {  	v7 =	vld [tilespmem:s31+$0xAD80];
	v5 =	vadd.f32 v6, v5  }
0x1f5: {  	v1 =	vadd.f32 v8, v1;
	v6 =	vld [tilespmem:s4+$0xFFFFF880]  }
0x1f6: {  	v8 =	vld [tilespmem:s31+$0xB000];
	v3 =	vadd.f32 v3, v5  }
0x1f7: {  	v1 =	vadd.f32 v4, v1;
	v4 =	vld [tilespmem:s4+$0xFFFFFB00]  }
0x1f8: {  	v5 =	vld [tilespmem:s31+$0xB280];
	v2 =	vadd.f32 v2, v3  }
0x1f9: {  	v1 =	vadd.f32 v7, v1;
	v3 =	vld [tilespmem:s4+$0xFFFFFD80]  }
0x1fa: {  	v7 =	vld [tilespmem:s31+$0xB500];
	v2 =	vadd.f32 v6, v2  }
0x1fb: {  	v1 =	vadd.f32 v8, v1;
	v6 =	vld [tilespmem:s4+$0x0]  }
0x1fc: {  	v8 =	vld [tilespmem:s31+$0xB780];
	v2 =	vadd.f32 v4, v2  }
0x1fd: {  	v1 =	vadd.f32 v5, v1;
	v4 =	vld [tilespmem:s4+$0x280]  }
0x1fe: {  	v5 =	vld [tilespmem:s31+$0xBA00];
	v2 =	vadd.f32 v3, v2  }
0x1ff: {  	v1 =	vadd.f32 v7, v1;
	v3 =	vld [tilespmem:s4+$0x500]  }
0x200: {  	v7 =	vld [tilespmem:s31+$0xBC80];
	v2 =	vadd.f32 v6, v2  }
0x201: {  	v1 =	vadd.f32 v8, v1;
	v6 =	vld [tilespmem:s4+$0x780]  }
0x202: {  	v8 =	vld [tilespmem:s31+$0xBF00];
	v2 =	vadd.f32 v4, v2  }
0x203: {  	v4 =	vadd.f32 v5, v1;
	v9 =	vld [tilespmem:s4+$0xA00]  }
.Ltmp7:
0x204: {  	v1 =	vld [tilespmem:s31+$0xC180];
	v5 =	vadd.f32 v3, v2;
	(pc) =	sbr.rel @p1 .LBB2_16-.Ltmp7, $4  }
0x205: {  	v4 =	vadd.f32 v7, v4;
	v2 =	vld [tilespmem:s4+$0xC80]  }
0x206: {  	v3 =	vld [tilespmem:s31+$0xC400];
	v7 =	vadd.f32 v6, v5  }
0x207: {  	v6 =	vadd.f32 v8, v4;
	v5 =	vld [tilespmem:s4+$0xF00]  }
0x208: {  	s20 =	sadd.s32 $0x20, s20;
	v7 =	vadd.f32 v9, v7;
	v4 =	vld [tilespmem:s4+$0x1180];
	s4 =	sadd.s32 $0x20, s4  }
0x209: {  	_ = 	snop  }
0x20a: {  	v2 =	vadd.f32 v2, v7  }
0x20b: {  	v1 =	vadd.f32 v1, v6  }
0x20c: {  	v2 =	vadd.f32 v5, v2  }
0x20d: {  	v1 =	vadd.f32 v3, v1  }
0x20e: {  	s4 =	sadd.s32 $0x20, s19;
	v2 =	vadd.f32 v4, v2  }
0x20f: {  	[tilespmem:s4+$0xFFFFFFF0] =	vst v1  }
0x210: {  	[tilespmem:s4+$0x0] =	vst v2  }
0x211: {  	s19 =	simm.s32 @!p0 $0xC680;
	s4 =	simm.s32 @!p0 $0x0;
	s20 =	rddreg [dreg:$0x6]  }
0x212: {  	[hbm4b:s20+s4] =	stream.linear.scatter @!p0 [tilespmem:s19], [sflag:$0x3], $0x280, $0x38;
	[tilespmem:$0xF380] =	vst v63  }
0x213: {  	s4 =	simm.s32 @!p0 $0x3  }
0x214: {  	_ =	swait.ge @!p0 [sflag:s4], $0x280  }
0x215: {  	[sflag:s4] =	ssyncset.done @!p0 $0x0  }
0x216: {  	[sflag:s4] =	ssyncadd.s32 @!p0 $0xFFFFFD80  }
0x217: {  	[spmem:s23] =	stream.linear.scatter [tilespmem:s1], [sflag:$0x3], $0x280, $0x38;
	[tilespmem:$0xF380] =	vst v63  }
0x218: {  	_ =	swait.ge [sflag:s30], $0x280  }
0x219: {  	[sflag:s30] =	ssyncset.done $0x0  }
0x21a: {  	[sflag:s30] =	ssyncadd.s32 $0xFFFFFD80  }
0x21b: {  	[bflag:$0x0] =	sbarrier.arrive $0xFFFF  }
0x21c: {  	s4 =	simm.s32 $0x76C0;
	s31 =	rddreg [dreg:$0x2]  }
0x21d: {  	[tilespmem:s3], [sflag:$0x2] =	stream.linear.gather [spmem:s31], $0x2800, $0x38;
	[tilespmem:$0xF380] =	vst v63  }
0x21e: {  	[tilespmem:s4+$0xFFFFFFC0] =	vst v0  }
0x21f: {  	[tilespmem:s4+$0x30] =	vst v0  }
0x220: {  	[tilespmem:s4+$0x20] =	vst v0  }
0x221: {  	[tilespmem:s4+$0x10] =	vst v0  }
0x222: {  	[tilespmem:s4+$0x0] =	vst v0  }
0x223: {  	[tilespmem:s4+$0xFFFFFFF0] =	vst v0  }
0x224: {  	s19 =	simm.s32 $0x0;
	[tilespmem:s4+$0xFFFFFFE0] =	vst v0  }
.LBB2_18:
0x225: {  	s19 =	sadd.s32 $0x8, s19;
	[tilespmem:s4+$0xFFFFFFD0] =	vst v0;
	s4 =	sadd.s32 $0x80, s4  }
0x226: {  	[tilespmem:s4+$0xFFFFFFC0] =	vst v0;
	p1 =	slt.u32 s19, $0x278  }
0x227: {  	[tilespmem:s4+$0x30] =	vst v0  }
.Ltmp8:
0x228: {  	[tilespmem:s4+$0x20] =	vst v0;
	(pc) =	sbr.rel @p1 .LBB2_18-.Ltmp8, $4  }
0x229: {  	[tilespmem:s4+$0x10] =	vst v0  }
0x22a: {  	[tilespmem:s4+$0x0] =	vst v0  }
0x22b: {  	[tilespmem:s4+$0xFFFFFFF0] =	vst v0  }
0x22c: {  	[tilespmem:s4+$0xFFFFFFE0] =	vst v0  }
0x22d: {  	[tilespmem:s4+$0xFFFFFFD0] =	vst v0  }
0x22e: {  	_ =	swait.ge [sflag:s2], $0x2800  }
0x22f: {  	[sflag:s2] =	ssyncset.done $0x0  }
0x230: {  	s25 =	simm.s32 $0x20;
	[sflag:s2] =	ssyncadd.s32 $0xFFFFD800  }
0x231: {  	v1 =	vld [tilespmem:s25+$0x10]  }
0x232: {  	v2 =	vld [tilespmem:s25+$0xFFFFFFF0];
	_ =	sdelay $0x1  }
0x233: {  	v4 =	vld [tilespmem:s25+$0xFFFFFFE0]  }
0x234: {  	v5 =	vld [tilespmem:s25+$0x0]  }
0x235: {  	v3 =	vand.u32 $0x3FFF, v1  }
0x236: {  	s31 =	simm.s32 $0x60;
	v6 =	vand.u32 $0x3FFF, v2  }
0x237: {  	v12 =	vld [tilespmem:s31+$0x10]  }
0x238: {  	v9 =	vld [tilespmem:s31+$0xFFFFFFF0];
	v7 =	vand.u32 $0x3FFF, v4  }
0x239: {  	v13 =	vld [tilespmem:s31+$0xFFFFFFE0];
	v10 =	vand.u32 $0x3FFF, v5  }
0x23a: {  	v1 =	vshrl.u32 v1, $0xE;
	v3 =	vld.idx.msk [tilespmem:v3+s3+$0x0], $0xffff  }
0x23b: {  	v2 =	vshrl.u32 v2, $0xE;
	v6 =	vld.idx.msk [tilespmem:v6+s3+$0x0], $0xffff  }
0x23c: {  	v11 =	vld [tilespmem:s31+$0x0];
	v14 =	vand.u32 $0x3FFF, v12  }
0x23d: {  	v15 =	vand.u32 $0x3FFF, v9;
	v8 =	vld.idx.msk [tilespmem:v7+s3+$0x0], $0xffff  }
0x23e: {  	v7 =	vld.idx.msk [tilespmem:v10+s3+$0x0], $0xffff  }
0x23f: {  	[tilespmem:v1+s29+$0x0] =	vst.idx.add.f32.msk $0xffff, v3  }
0x240: {  	v12 =	vshrl.u32 v12, $0xE;
	v10 =	vand.u32 $0x3FFF, v13;
	[tilespmem:v2+s29+$0x0] =	vst.idx.add.f32.msk $0xffff, v6  }
0x241: {  	v1 =	vshrl.u32 v5, $0xE;
	v2 =	vshrl.u32 v11, $0xE;
	v6 =	vand.u32 $0x3FFF, v11;
	v11 =	vld.idx.msk [tilespmem:v14+s3+$0x0], $0xffff  }
0x242: {  	s4 =	simm.s32 $0x4;
	s19 =	simm.s32 $0xA0;
	v3 =	vshrl.u32 v4, $0xE;
	v4 =	vshrl.u32 v9, $0xE;
	v5 =	vshrl.u32 v13, $0xE;
	v9 =	vld.idx.msk [tilespmem:v15+s3+$0x0], $0xffff  }
.LBB2_20:
0x243: {  	v13 =	vld [tilespmem:s19+$0x10];
	s4 =	sadd.s32 $0x4, s4;
	v14 =	vmov v7  }
0x244: {  	v7 =	vld [tilespmem:s19+$0xFFFFFFF0];
	p1 =	slt.u32 s4, $0x4DC  }
0x245: {  	v15 =	vld [tilespmem:s19+$0x0]  }
0x246: {  	v16 =	vld [tilespmem:s19+$0xFFFFFFE0]  }
0x247: {  	[tilespmem:v12+s29+$0x0] =	vst.idx.add.f32.msk $0xffff, v11  }
0x248: {  	v11 =	vand.u32 $0x3FFF, v13;
	v17 =	vld.idx.msk [tilespmem:v10+s3+$0x0], $0xffff  }
0x249: {  	v12 =	vshrl.u32 v7, $0xE;
	v18 =	vand.u32 $0x3FFF, v7;
	v7 =	vld.idx.msk [tilespmem:v6+s3+$0x0], $0xffff  }
.Ltmp9:
0x24a: {  	v19 =	vshrl.u32 v15, $0xE;
	v6 =	vand.u32 $0x3FFF, v15;
	[tilespmem:v3+s29+$0x0] =	vst.idx.add.f32.msk $0xffff, v8;
	v3 =	vmov v5;
	(pc) =	sbr.rel @p1 .LBB2_20-.Ltmp9, $4  }
0x24b: {  	v5 =	vshrl.u32 v16, $0xE;
	v10 =	vand.u32 $0x3FFF, v16;
	[tilespmem:v4+s29+$0x0] =	vst.idx.add.f32.msk $0xffff, v9;
	v4 =	vmov v12  }
0x24c: {  	[tilespmem:v1+s29+$0x0] =	vst.idx.add.f32.msk $0xffff, v14;
	v1 =	vmov v2;
	v2 =	vmov v19  }
0x24d: {  	v11 =	vld.idx.msk [tilespmem:v11+s3+$0x0], $0xffff  }
0x24e: {  	s19 =	sadd.s32 $0x40, s19;
	v12 =	vshrl.u32 v13, $0xE;
	v8 =	vmov v17;
	v9 =	vld.idx.msk [tilespmem:v18+s3+$0x0], $0xffff  }
0x24f: {  	_ =	sdelay $0x3  }
0x250: {  	v10 =	vld.idx.msk [tilespmem:v10+s3+$0x0], $0xffff  }
0x251: {  	v6 =	vld.idx.msk [tilespmem:v6+s3+$0x0], $0xffff  }
0x252: {  	[tilespmem:v3+s29+$0x0] =	vst.idx.add.f32.msk $0xffff, v8  }
0x253: {  	[tilespmem:v1+s29+$0x0] =	vst.idx.add.f32.msk $0xffff, v7  }
0x254: {  	[tilespmem:v12+s29+$0x0] =	vst.idx.add.f32.msk $0xffff, v11  }
0x255: {  	[tilespmem:v4+s29+$0x0] =	vst.idx.add.f32.msk $0xffff, v9  }
0x256: {  	[tilespmem:v5+s29+$0x0] =	vst.idx.add.f32.msk $0xffff, v10  }
0x257: {  	s4 =	simm.s32 $0x0;
	[tilespmem:v2+s29+$0x0] =	vst.idx.add.f32.msk $0xffff, v6  }
.LBB2_22:
0x258: {  	s19 =	sshra.s32 s4, $0x2  }
0x259: {  	v1 =	vld [tilespmem:s19+$0x4E00];
	_ =	sdelay $0x4  }
0x25a: {  	v2 =	vand.u32 $0x3FFF, v1;
	_ =	sdelay $0x4  }
0x25b: {  	p1 =	sne.s32 s4, $0x40;
	v1 =	vshrl.u32 v1, $0xE;
	v2 =	vld.idx.msk [tilespmem:v2+s3+$0x0], $0xffff  }
.Ltmp10:
0x25c: {  	_ = 	snop;
	(pc) =	sbr.rel @p1 .LBB2_22-.Ltmp10, $2  }
0x25d: {  	_ =	sdelay $0x2  }
0x25e: {  	s4 =	sadd.s32 $0x40, s4;
	[tilespmem:v1+s29+$0x0] =	vst.idx.add.f32.msk $0xffff, v2  }
0x25f: {  	s4 =	simm.s32 @!p0 $0x0;
	s19 =	simm.s32 @!p0 $0x7680;
	s20 =	rddreg [dreg:$0x7]  }
0x260: {  	[hbm4b:s20+s4] =	stream.linear.scatter @!p0 [tilespmem:s19], [sflag:$0x3], $0x2800, $0x38;
	[tilespmem:$0xF380] =	vst v63  }
0x261: {  	s4 =	simm.s32 @!p0 $0x3  }
0x262: {  	_ =	swait.ge @!p0 [sflag:s4], $0x2800  }
0x263: {  	s24 =	sadd.s32 $0x1, s24;
	s31 =	rddreg [dreg:$0x8]  }
0x264: {  	p1 =	sne.s32 s24, s31  }
.Ltmp11:
0x265: {  	_ = 	snop;
	(pc) =	sbr.rel @p1 .LBB2_1-.Ltmp11, $3  }
0x266: {  	_ =	sdelay $0x1  }
0x267: {  	[sflag:s4] =	ssyncset.done @!p0 $0x0  }
0x268: {  	[sflag:s4] =	ssyncadd.s32 @!p0 $0xFFFFD800  }
0x269: {  	_ =	sfence.sel $0x180000  }
0x26a: {  	[bflag:$0x0] =	sbarrier.arrive $0xFFFF  }
0x26b: {  	_ =	strace $0x90000047  }
0x26c: {  	s0 =	stileid.u32;
	[bflag:$0x2] =	sbarrier.arrive $0xFFFF  }
0x26d: {  	p0 =	sne.s32 s0, $0x0;
	s0 =	rddreg [dreg:$0x3]  }
0x26e: {  	s0 =	sadd.s32 @!p0 $0x100000, s0  }
0x26f: {  	[sflag:s0] =	ssyncadd.tile.s32 @!p0 $0x1;
	_ =	shalt  }
.Lfunc_end2:
_tile_overlayer_lowered:
.L_overlay_start_2:
0x270: {  	(tag) =	ssettag $0x2  }
0x271: {  	s0 =	rddreg [dreg:$0x0];
	s2 =	stileid.u32  }
0x272: {  	s1 =	rddreg [dreg:$0x1];
	p0 =	sne.s32 s2, $0x0  }
0x273: {  	s3 =	rddreg [dreg:$0x2];
	[bflag:$0x3] =	sbarrier.arrive $0xFFFF;
	s2 =	simm.s32 @!p0 $0x1C03  }
0x274: {  	[timem:s3], [sflag:s2] =	dma.local @!p0 [hbm:s0], s1  }
0x275: {  	s0 =	simm.s32 @!p0 $0x3  }
0x276: {  	_ =	swait.ge @!p0 [sflag:s0], s1  }
0x277: {  	s1 =	ssub.s32 @!p0 $0x0, s1;
	[sflag:s0] =	ssyncset.done @!p0 $0x0  }
0x278: {  	[sflag:s0] =	ssyncadd.s32 @!p0 s1  }
0x279: {  	[bflag:$0x3] =	sbarrier.arrive $0xFFFF  }
0x27a: {  	_ =	shalt  }

</sc_bundles>
